<compile_context>
chip_gen: v7x
topology: tpu7x:2x2x1
jax: 0.10.2.dev20260603
libtpu: 0.0.44.dev20260713+nightly
codegen_flags: <defaults>
</compile_context>

<pallas_src>
import functools

import jax
import jax.numpy as jnp
from jax import lax
from jax.experimental import pallas as pl
from jax.experimental.pallas import tpu as pltpu
from jax.experimental.pallas import tpu_sc as plsc

L = 16


def _sc_pipeline(HW, n, B, n_workers, chunk):
    groups = chunk // L
    n_chunks = HW // (n_workers * chunk)
    pw = HW // n_workers

    mesh = plsc.VectorSubcoreMesh(core_axis_name="c", subcore_axis_name="s")
    info = plsc.get_sparse_core_info()
    nc = info.num_cores

    @functools.partial(
        pl.kernel,
        out_type=jax.ShapeDtypeStruct((B, 3, HW), jnp.float32),
        mesh=mesh,
        compiler_params=pltpu.CompilerParams(
            needs_layout_passes=False, use_tc_tiling_on_sc=False
        ),
        scratch_types=[
            pltpu.VMEM((3, chunk, n), jnp.float32),
            pltpu.VMEM((3, chunk, n), jnp.float32),
            pltpu.VMEM((B, 3, chunk), jnp.float32),
            pltpu.VMEM((chunk, 9), jnp.float32),
            pltpu.VMEM((B, 3, chunk), jnp.float32),
        ],
    )
    def run(in_hbm, x_hbm, y_hbm, v_hbm, out_hbm, x_v, y_v, in_v, v_v, out_v):
        wid = lax.axis_index("s") * nc + lax.axis_index("c")
        base = wid * pw

        @pl.loop(0, n_chunks)
        def _chunk(ci):
            p0 = base + ci * chunk
            pltpu.sync_copy(x_hbm.at[:, pl.ds(p0, chunk), :], x_v)
            pltpu.sync_copy(y_hbm.at[:, pl.ds(p0, chunk), :], y_v)
            pltpu.sync_copy(in_hbm.at[:, :, pl.ds(p0, chunk)], in_v)
            pltpu.sync_copy(v_hbm.at[pl.ds(p0, chunk), :], v_v)

            @pl.loop(0, groups)
            def _group(g):
                rows = g * L + lax.iota(jnp.int32, L)
                after = [[None] * 3 for _ in range(B)]
                for c in range(3):
                    cvec = jnp.full((L,), c, jnp.int32)
                    for b in range(B):
                        xi = in_v[b, c, pl.ds(g * L, L)]
                        lo = jnp.zeros((L,), jnp.int32)
                        for s in (8, 4, 2, 1):
                            m = lo + s
                            xm = plsc.load_gather(x_v, [cvec, rows, m - 1])
                            lo = jnp.where(xm < xi, m, lo)
                        idx = jnp.maximum(lo, 1)
                        x0 = plsc.load_gather(x_v, [cvec, rows, idx - 1])
                        x1 = plsc.load_gather(x_v, [cvec, rows, idx])
                        y0 = plsc.load_gather(y_v, [cvec, rows, idx - 1])
                        y1 = plsc.load_gather(y_v, [cvec, rows, idx])
                        alpha = (xi - x0) / (x1 - x0 + 1e-8)
                        after[b][c] = y0 + alpha * (y1 - y0)
                for d in range(3):
                    acc = [jnp.zeros((L,), jnp.float32) for _ in range(B)]
                    for c in range(3):
                        vcd = plsc.load_gather(
                            v_v, [rows, jnp.full((L,), c * 3 + d, jnp.int32)]
                        )
                        for b in range(B):
                            acc[b] = acc[b] + after[b][c] * vcd
                    for b in range(B):
                        out_v[b, d, pl.ds(g * L, L)] = jnp.clip(acc[b], 0.0, 1.0)

            pltpu.sync_copy(out_v, out_hbm.at[:, :, pl.ds(p0, chunk)])

    return run


@jax.jit
def kernel(input_image, V, x_data, y_data):
    B, _, H, W = input_image.shape
    n = x_data.shape[-1]
    HW = H * W
    in2 = input_image.reshape(B, 3, HW)
    x2 = x_data.reshape(3, HW, n)
    y2 = y_data.reshape(3, HW, n)
    v2 = V.reshape(HW, 9)
    out = _sc_pipeline(HW, n, B, n_workers=32, chunk=256)(in2, x2, y2, v2)
    return out.reshape(B, 3, H, W)

# --- scband reference (transcript-rebuilt; emitter-appended) ---
"""Pipeline reference for scband-ultra-optimized-projector-compensation5-13623636263641 (READ-ONLY COPY).

The authoritative reference and input builder live on the scoring server;
editing this copy changes nothing except your own understanding.
"""

import jax, jax.numpy as jnp
import numpy as np

H = 512
W = 512
N_PAT = 16
N_SAMPLES = 16
B = 4
LAM = 0.01


def _estimate_V(P, C, lam):
    # P, C: (N, H, W, 3). Per-pixel ridge least squares: V = (X^T X + lam I)^{-1} (X^T Y + lam I)
    X = jnp.transpose(P, (1, 2, 0, 3))  # (H, W, N, 3)
    Y = jnp.transpose(C, (1, 2, 0, 3))
    XtX = jnp.einsum('hwni,hwnj->hwij', X, X)
    XtY = jnp.einsum('hwni,hwnj->hwij', X, Y)
    eye = jnp.eye(3, dtype=P.dtype).reshape(1, 1, 3, 3)
    XtX = XtX + lam * eye
    XtY = XtY + lam * eye
    V_flat = jnp.linalg.solve(XtX.reshape(-1, 3, 3), XtY.reshape(-1, 3, 3))
    return V_flat.reshape(H, W, 3, 3)


def setup_inputs(seed: int = 0) -> dict:
    key = jax.random.key(seed)
    k1, k2, k3, k4, k5, k6 = jax.random.split(key, 6)
    # Calibration data used by __init__ to precompute module state
    P = jax.random.uniform(k1, (N_PAT, H, W, 3), dtype=jnp.float32)
    M = jnp.eye(3, dtype=jnp.float32) + 0.1 * jax.random.normal(k2, (3, 3), dtype=jnp.float32)
    C = jnp.clip(jnp.einsum('nhwi,ij->nhwj', P, M) + 0.01 * jax.random.normal(k3, (N_PAT, H, W, 3), dtype=jnp.float32), 0.0, 1.0)
    V = _estimate_V(P, C, LAM)  # (H, W, 3, 3)
    # Sorted per-pixel per-channel anchor tables (assume_sorted=True path)
    x_data = jnp.sort(jax.random.uniform(k4, (3, H, W, N_SAMPLES), dtype=jnp.float32), axis=-1)
    y_data = jnp.sort(jax.random.uniform(k5, (3, H, W, N_SAMPLES), dtype=jnp.float32), axis=-1)
    input_image = jax.random.uniform(k6, (B, 3, H, W), dtype=jnp.float32)
    return {"input_image": input_image, "V": V, "x_data": x_data, "y_data": y_data}


def reference(input_image, V, x_data, y_data):
    # forward, mode='full'
    b = input_image.shape[0]
    n = x_data.shape[-1]
    x_flat = x_data.reshape(-1, n)      # (3*H*W, n)
    y_flat = y_data.reshape(-1, n)
    xi_flat = input_image.reshape(b, -1)  # (B, 3*H*W)
    # searchsorted(right=False) == count of elements strictly less than query
    indices = jnp.sum(x_flat[None, :, :] < xi_flat[:, :, None], axis=-1)
    indices = jnp.clip(indices, 1, n - 1)
    rows = jnp.arange(x_flat.shape[0])[None, :]
    x0 = x_flat[rows, indices - 1]
    x1 = x_flat[rows, indices]
    y0 = y_flat[rows, indices - 1]
    y1 = y_flat[rows, indices]
    alpha = (xi_flat - x0) / (x1 - x0 + 1e-08)
    after_response_flat = y0 + alpha * (y1 - y0)
    after_response_hwc = jnp.transpose(after_response_flat.reshape(b, 3, H * W), (0, 2, 1))  # (B, H*W, 3)
    V_flat = V.reshape(-1, 3, 3)  # (H*W, 3, 3)
    simulated_flat = jnp.einsum('bpc,pcd->bpd', after_response_hwc, V_flat)
    simulated_capture = jnp.transpose(simulated_flat.reshape(b, H, W, 3), (0, 3, 1, 2))
    return jnp.clip(simulated_capture, 0.0, 1.0)

if __name__ == "__main__":
    import jax
    _d = setup_inputs()
    print(jax.jit(kernel)(*tuple(_d.values())))

</pallas_src>

<mosaic_0001>
#map = affine_map<(d0, d1) -> (0, 0, 0)>
#map1 = affine_map<(d0, d1) -> (0, 0)>
module attributes {stable_mosaic.version = 14 : i64} {
  func.func @run(%arg0: i32, %arg1: i32, %arg2: memref<4x3x262144xf32, #tpu.memory_space<hbm>>, %arg3: memref<3x262144x16xf32, #tpu.memory_space<hbm>>, %arg4: memref<3x262144x16xf32, #tpu.memory_space<hbm>>, %arg5: memref<262144x9xf32, #tpu.memory_space<hbm>>, %arg6: memref<4x3x262144xf32, #tpu.memory_space<hbm>>, %arg7: memref<3x256x16xf32, #tpu.memory_space<vmem>>, %arg8: memref<3x256x16xf32, #tpu.memory_space<vmem>>, %arg9: memref<4x3x256xf32, #tpu.memory_space<vmem>>, %arg10: memref<256x9xf32, #tpu.memory_space<vmem>>, %arg11: memref<4x3x256xf32, #tpu.memory_space<vmem>>) attributes {dimension_semantics = [#tpu.dimension_semantics<core_parallel>, #tpu.dimension_semantics<subcore_parallel>], iteration_bounds = array<i64: 2, 16>, scalar_prefetch = 0 : i64, scratch_operands = 5 : i64, tpu.core_type = #tpu.core_type<sc_vector_subcore>, window_params = [{transform_indices = #map}, {transform_indices = #map}, {transform_indices = #map}, {transform_indices = #map1}, {transform_indices = #map}]} {
    %mul3A = arith.constant 2 : i32
    %mul3A_0 = arith.muli %arg1, %mul3A : i32
    %add3A = arith.addi %mul3A_0, %arg0 : i32
    %mul3A_1 = arith.constant 8192 : i32
    %mul3A_2 = arith.muli %add3A, %mul3A_1 : i32
    %scan3A = arith.constant 0 : i32
    %scan3A_3 = arith.constant 32 : i32
    %scan3A_4 = arith.addi %scan3A, %scan3A_3 : i32
    %scan3A_5 = arith.constant 1 : i32
    scf.for %scan3A_7 = %scan3A to %scan3A_4 step %scan3A_5  : i32 {
      %mul3A_8 = arith.constant 1 : i32
      %mul3A_9 = arith.muli %scan3A_7, %mul3A_8 : i32
      %add3A_10 = arith.constant 0 : i32
      %add3A_11 = arith.addi %add3A_10, %mul3A_9 : i32
      %mul3A_12 = arith.constant 256 : i32
      %mul3A_13 = arith.muli %add3A_11, %mul3A_12 : i32
      %add3A_14 = arith.addi %mul3A_2, %mul3A_13 : i32
      "tpu.region"() ({
        %run_scoped3A = tpu.sem_alloc : memref<!tpu.dma_semaphore, #tpu.memory_space<semaphore_mem>>
        %dma_start3A = arith.constant 0 : i32
        %dma_start3A_20 = arith.constant 0 : i32
        %dma_start3A_21 = tpu.memref_slice %arg3[%dma_start3A, %add3A_14, %dma_start3A_20] : memref<3x262144x16xf32, #tpu.memory_space<hbm>> -> memref<3x256x16xf32, #tpu.memory_space<hbm>>
        %dma_start3A_22 = arith.constant 0 : i32
        %dma_start3A_23 = arith.constant 0 : i32
        %dma_start3A_24 = tpu.memref_slice %arg3[%dma_start3A_22, %add3A_14, %dma_start3A_23] : memref<3x262144x16xf32, #tpu.memory_space<hbm>> -> memref<3x256x16xf32, #tpu.memory_space<hbm>>
        tpu.enqueue_dma source(%dma_start3A_24 : memref<3x256x16xf32, #tpu.memory_space<hbm>>) target(%arg7 : memref<3x256x16xf32, #tpu.memory_space<vmem>>) target_semaphore(%run_scoped3A : memref<!tpu.dma_semaphore, #tpu.memory_space<semaphore_mem>>)
        %dma_wait3A = arith.constant 0 : i32
        %dma_wait3A_25 = arith.constant 0 : i32
        %dma_wait3A_26 = tpu.memref_slice %arg3[%dma_wait3A, %add3A_14, %dma_wait3A_25] : memref<3x262144x16xf32, #tpu.memory_space<hbm>> -> memref<3x256x16xf32, #tpu.memory_space<hbm>>
        %dma_wait3A_27 = arith.constant 0 : i32
        %dma_wait3A_28 = arith.constant 0 : i32
        %dma_wait3A_29 = tpu.memref_slice %arg3[%dma_wait3A_27, %add3A_14, %dma_wait3A_28] : memref<3x262144x16xf32, #tpu.memory_space<hbm>> -> memref<3x256x16xf32, #tpu.memory_space<hbm>>
        tpu.wait_dma2 semaphore(%run_scoped3A : memref<!tpu.dma_semaphore, #tpu.memory_space<semaphore_mem>>) src(%dma_wait3A_29 : memref<3x256x16xf32, #tpu.memory_space<hbm>>) dst(%arg7 : memref<3x256x16xf32, #tpu.memory_space<vmem>>)
        tpu.yield
      }) : () -> ()
      "tpu.region"() ({
        %run_scoped3A = tpu.sem_alloc : memref<!tpu.dma_semaphore, #tpu.memory_space<semaphore_mem>>
        %dma_start3A = arith.constant 0 : i32
        %dma_start3A_20 = arith.constant 0 : i32
        %dma_start3A_21 = tpu.memref_slice %arg4[%dma_start3A, %add3A_14, %dma_start3A_20] : memref<3x262144x16xf32, #tpu.memory_space<hbm>> -> memref<3x256x16xf32, #tpu.memory_space<hbm>>
        %dma_start3A_22 = arith.constant 0 : i32
        %dma_start3A_23 = arith.constant 0 : i32
        %dma_start3A_24 = tpu.memref_slice %arg4[%dma_start3A_22, %add3A_14, %dma_start3A_23] : memref<3x262144x16xf32, #tpu.memory_space<hbm>> -> memref<3x256x16xf32, #tpu.memory_space<hbm>>
        tpu.enqueue_dma source(%dma_start3A_24 : memref<3x256x16xf32, #tpu.memory_space<hbm>>) target(%arg8 : memref<3x256x16xf32, #tpu.memory_space<vmem>>) target_semaphore(%run_scoped3A : memref<!tpu.dma_semaphore, #tpu.memory_space<semaphore_mem>>)
        %dma_wait3A = arith.constant 0 : i32
        %dma_wait3A_25 = arith.constant 0 : i32
        %dma_wait3A_26 = tpu.memref_slice %arg4[%dma_wait3A, %add3A_14, %dma_wait3A_25] : memref<3x262144x16xf32, #tpu.memory_space<hbm>> -> memref<3x256x16xf32, #tpu.memory_space<hbm>>
        %dma_wait3A_27 = arith.constant 0 : i32
        %dma_wait3A_28 = arith.constant 0 : i32
        %dma_wait3A_29 = tpu.memref_slice %arg4[%dma_wait3A_27, %add3A_14, %dma_wait3A_28] : memref<3x262144x16xf32, #tpu.memory_space<hbm>> -> memref<3x256x16xf32, #tpu.memory_space<hbm>>
        tpu.wait_dma2 semaphore(%run_scoped3A : memref<!tpu.dma_semaphore, #tpu.memory_space<semaphore_mem>>) src(%dma_wait3A_29 : memref<3x256x16xf32, #tpu.memory_space<hbm>>) dst(%arg8 : memref<3x256x16xf32, #tpu.memory_space<vmem>>)
        tpu.yield
      }) : () -> ()
      "tpu.region"() ({
        %run_scoped3A = tpu.sem_alloc : memref<!tpu.dma_semaphore, #tpu.memory_space<semaphore_mem>>
        %dma_start3A = arith.constant 0 : i32
        %dma_start3A_20 = arith.constant 0 : i32
        %dma_start3A_21 = tpu.memref_slice %arg2[%dma_start3A, %dma_start3A_20, %add3A_14] : memref<4x3x262144xf32, #tpu.memory_space<hbm>> -> memref<4x3x256xf32, #tpu.memory_space<hbm>>
        %dma_start3A_22 = arith.constant 0 : i32
        %dma_start3A_23 = arith.constant 0 : i32
        %dma_start3A_24 = tpu.memref_slice %arg2[%dma_start3A_22, %dma_start3A_23, %add3A_14] : memref<4x3x262144xf32, #tpu.memory_space<hbm>> -> memref<4x3x256xf32, #tpu.memory_space<hbm>>
        tpu.enqueue_dma source(%dma_start3A_24 : memref<4x3x256xf32, #tpu.memory_space<hbm>>) target(%arg9 : memref<4x3x256xf32, #tpu.memory_space<vmem>>) target_semaphore(%run_scoped3A : memref<!tpu.dma_semaphore, #tpu.memory_space<semaphore_mem>>)
        %dma_wait3A = arith.constant 0 : i32
        %dma_wait3A_25 = arith.constant 0 : i32
        %dma_wait3A_26 = tpu.memref_slice %arg2[%dma_wait3A, %dma_wait3A_25, %add3A_14] : memref<4x3x262144xf32, #tpu.memory_space<hbm>> -> memref<4x3x256xf32, #tpu.memory_space<hbm>>
        %dma_wait3A_27 = arith.constant 0 : i32
        %dma_wait3A_28 = arith.constant 0 : i32
        %dma_wait3A_29 = tpu.memref_slice %arg2[%dma_wait3A_27, %dma_wait3A_28, %add3A_14] : memref<4x3x262144xf32, #tpu.memory_space<hbm>> -> memref<4x3x256xf32, #tpu.memory_space<hbm>>
        tpu.wait_dma2 semaphore(%run_scoped3A : memref<!tpu.dma_semaphore, #tpu.memory_space<semaphore_mem>>) src(%dma_wait3A_29 : memref<4x3x256xf32, #tpu.memory_space<hbm>>) dst(%arg9 : memref<4x3x256xf32, #tpu.memory_space<vmem>>)
        tpu.yield
      }) : () -> ()
      "tpu.region"() ({
        %run_scoped3A = tpu.sem_alloc : memref<!tpu.dma_semaphore, #tpu.memory_space<semaphore_mem>>
        %dma_start3A = arith.constant 0 : i32
        %dma_start3A_20 = tpu.memref_slice %arg5[%add3A_14, %dma_start3A] : memref<262144x9xf32, #tpu.memory_space<hbm>> -> memref<256x9xf32, #tpu.memory_space<hbm>>
        %dma_start3A_21 = arith.constant 0 : i32
        %dma_start3A_22 = tpu.memref_slice %arg5[%add3A_14, %dma_start3A_21] : memref<262144x9xf32, #tpu.memory_space<hbm>> -> memref<256x9xf32, #tpu.memory_space<hbm>>
        tpu.enqueue_dma source(%dma_start3A_22 : memref<256x9xf32, #tpu.memory_space<hbm>>) target(%arg10 : memref<256x9xf32, #tpu.memory_space<vmem>>) target_semaphore(%run_scoped3A : memref<!tpu.dma_semaphore, #tpu.memory_space<semaphore_mem>>)
        %dma_wait3A = arith.constant 0 : i32
        %dma_wait3A_23 = tpu.memref_slice %arg5[%add3A_14, %dma_wait3A] : memref<262144x9xf32, #tpu.memory_space<hbm>> -> memref<256x9xf32, #tpu.memory_space<hbm>>
        %dma_wait3A_24 = arith.constant 0 : i32
        %dma_wait3A_25 = tpu.memref_slice %arg5[%add3A_14, %dma_wait3A_24] : memref<262144x9xf32, #tpu.memory_space<hbm>> -> memref<256x9xf32, #tpu.memory_space<hbm>>
        tpu.wait_dma2 semaphore(%run_scoped3A : memref<!tpu.dma_semaphore, #tpu.memory_space<semaphore_mem>>) src(%dma_wait3A_25 : memref<256x9xf32, #tpu.memory_space<hbm>>) dst(%arg10 : memref<256x9xf32, #tpu.memory_space<vmem>>)
        tpu.yield
      }) : () -> ()
      %scan3A_15 = arith.constant 0 : i32
      %scan3A_16 = arith.constant 16 : i32
      %scan3A_17 = arith.addi %scan3A_15, %scan3A_16 : i32
      %scan3A_18 = arith.constant 1 : i32
      scf.for %scan3A_20 = %scan3A_15 to %scan3A_17 step %scan3A_18  : i32 {
        %mul3A_21 = arith.constant 1 : i32
        %mul3A_22 = arith.muli %scan3A_20, %mul3A_21 : i32
        %add3A_23 = arith.constant 0 : i32
        %add3A_24 = arith.addi %add3A_23, %mul3A_22 : i32
        %mul3A_25 = arith.constant 16 : i32
        %mul3A_26 = arith.muli %add3A_24, %mul3A_25 : i32
        %iota3A = tpu.iota {dimensions = array<i32: 0>} : vector<16xi32>
        %add3A_27 = vector.broadcast %mul3A_26 : i32 to vector<16xi32>
        %add3A_28 = arith.addi %add3A_27, %iota3A : vector<16xi32>
        %broadcast_in_dim3A = arith.constant 0 : i32
        %broadcast_in_dim3A_29 = vector.broadcast %broadcast_in_dim3A : i32 to vector<16xi32>
        %mul3A_30 = arith.constant 16 : i32
        %mul3A_31 = arith.muli %add3A_24, %mul3A_30 : i32
        %get3A = arith.constant 0 : i32
        %get3A_32 = arith.constant 0 : i32
        %get3A_33 = arith.index_cast %get3A : i32 to index
        %get3A_34 = arith.index_cast %get3A_32 : i32 to index
        %get3A_35 = arith.index_cast %mul3A_31 : i32 to index
        %get3A_36 = tpu.vector_load %arg9[%get3A_33, %get3A_34, %get3A_35] {strides = array<i32>} : memref<4x3x256xf32, #tpu.memory_space<vmem>>, vector<16xf32>,
        %broadcast_in_dim3A_37 = arith.constant 0 : i32
        %broadcast_in_dim3A_38 = vector.broadcast %broadcast_in_dim3A_37 : i32 to vector<16xi32>
        %add3A_39 = arith.constant 8 : i32
        %add3A_40 = vector.broadcast %add3A_39 : i32 to vector<16xi32>
        %add3A_41 = arith.addi %broadcast_in_dim3A_38, %add3A_40 : vector<16xi32>
        %sub3A = arith.constant 1 : i32
        %sub3A_42 = vector.broadcast %sub3A : i32 to vector<16xi32>
        %sub3A_43 = arith.subi %add3A_41, %sub3A_42 : vector<16xi32>
        %gather3A = tpu.vector_load_idx %arg7[%broadcast_in_dim3A_29, %add3A_28, %sub3A_43] : memref<3x256x16xf32, #tpu.memory_space<vmem>>[vector<16xi32>, vector<16xi32>, vector<16xi32>], vector<16xf32>,
        %lt3A = arith.cmpf olt, %gather3A, %get3A_36 : vector<16xf32>
        %select_n3A = arith.select %lt3A, %add3A_41, %broadcast_in_dim3A_38 : vector<16xi1>, vector<16xi32>
        %add3A_44 = arith.constant 4 : i32
        %add3A_45 = vector.broadcast %add3A_44 : i32 to vector<16xi32>
        %add3A_46 = arith.addi %select_n3A, %add3A_45 : vector<16xi32>
        %sub3A_47 = arith.constant 1 : i32
        %sub3A_48 = vector.broadcast %sub3A_47 : i32 to vector<16xi32>
        %sub3A_49 = arith.subi %add3A_46, %sub3A_48 : vector<16xi32>
        %gather3A_50 = tpu.vector_load_idx %arg7[%broadcast_in_dim3A_29, %add3A_28, %sub3A_49] : memref<3x256x16xf32, #tpu.memory_space<vmem>>[vector<16xi32>, vector<16xi32>, vector<16xi32>], vector<16xf32>,
        %lt3A_51 = arith.cmpf olt, %gather3A_50, %get3A_36 : vector<16xf32>
        %select_n3A_52 = arith.select %lt3A_51, %add3A_46, %select_n3A : vector<16xi1>, vector<16xi32>
        %add3A_53 = arith.constant 2 : i32
        %add3A_54 = vector.broadcast %add3A_53 : i32 to vector<16xi32>
        %add3A_55 = arith.addi %select_n3A_52, %add3A_54 : vector<16xi32>
        %sub3A_56 = arith.constant 1 : i32
        %sub3A_57 = vector.broadcast %sub3A_56 : i32 to vector<16xi32>
        %sub3A_58 = arith.subi %add3A_55, %sub3A_57 : vector<16xi32>
        %gather3A_59 = tpu.vector_load_idx %arg7[%broadcast_in_dim3A_29, %add3A_28, %sub3A_58] : memref<3x256x16xf32, #tpu.memory_space<vmem>>[vector<16xi32>, vector<16xi32>, vector<16xi32>], vector<16xf32>,
        %lt3A_60 = arith.cmpf olt, %gather3A_59, %get3A_36 : vector<16xf32>
        %select_n3A_61 = arith.select %lt3A_60, %add3A_55, %select_n3A_52 : vector<16xi1>, vector<16xi32>
        %add3A_62 = arith.constant 1 : i32
        %add3A_63 = vector.broadcast %add3A_62 : i32 to vector<16xi32>
        %add3A_64 = arith.addi %select_n3A_61, %add3A_63 : vector<16xi32>
        %sub3A_65 = arith.constant 1 : i32
        %sub3A_66 = vector.broadcast %sub3A_65 : i32 to vector<16xi32>
        %sub3A_67 = arith.subi %add3A_64, %sub3A_66 : vector<16xi32>
        %gather3A_68 = tpu.vector_load_idx %arg7[%broadcast_in_dim3A_29, %add3A_28, %sub3A_67] : memref<3x256x16xf32, #tpu.memory_space<vmem>>[vector<16xi32>, vector<16xi32>, vector<16xi32>], vector<16xf32>,
        %lt3A_69 = arith.cmpf olt, %gather3A_68, %get3A_36 : vector<16xf32>
        %select_n3A_70 = arith.select %lt3A_69, %add3A_64, %select_n3A_61 : vector<16xi1>, vector<16xi32>
        %max3A = arith.constant 1 : i32
        %max3A_71 = vector.broadcast %max3A : i32 to vector<16xi32>
        %max3A_72 = arith.maxsi %select_n3A_70, %max3A_71 : vector<16xi32>
        %sub3A_73 = arith.constant 1 : i32
        %sub3A_74 = vector.broadcast %sub3A_73 : i32 to vector<16xi32>
        %sub3A_75 = arith.subi %max3A_72, %sub3A_74 : vector<16xi32>
        %gather3A_76 = tpu.vector_load_idx %arg7[%broadcast_in_dim3A_29, %add3A_28, %sub3A_75] : memref<3x256x16xf32, #tpu.memory_space<vmem>>[vector<16xi32>, vector<16xi32>, vector<16xi32>], vector<16xf32>,
        %gather3A_77 = tpu.vector_load_idx %arg7[%broadcast_in_dim3A_29, %add3A_28, %max3A_72] : memref<3x256x16xf32, #tpu.memory_space<vmem>>[vector<16xi32>, vector<16xi32>, vector<16xi32>], vector<16xf32>,
        %sub3A_78 = arith.constant 1 : i32
        %sub3A_79 = vector.broadcast %sub3A_78 : i32 to vector<16xi32>
        %sub3A_80 = arith.subi %max3A_72, %sub3A_79 : vector<16xi32>
        %gather3A_81 = tpu.vector_load_idx %arg8[%broadcast_in_dim3A_29, %add3A_28, %sub3A_80] : memref<3x256x16xf32, #tpu.memory_space<vmem>>[vector<16xi32>, vector<16xi32>, vector<16xi32>], vector<16xf32>,
        %gather3A_82 = tpu.vector_load_idx %arg8[%broadcast_in_dim3A_29, %add3A_28, %max3A_72] : memref<3x256x16xf32, #tpu.memory_space<vmem>>[vector<16xi32>, vector<16xi32>, vector<16xi32>], vector<16xf32>,
        %sub3A_83 = arith.subf %get3A_36, %gather3A_76 : vector<16xf32>
        %sub3A_84 = arith.subf %gather3A_77, %gather3A_76 : vector<16xf32>
        %add3A_85 = arith.constant 9.99999993E-9 : f32
        %add3A_86 = vector.broadcast %add3A_85 : f32 to vector<16xf32>
        %add3A_87 = arith.addf %sub3A_84, %add3A_86 : vector<16xf32>
        %div3A = arith.divf %sub3A_83, %add3A_87 : vector<16xf32>
        %sub3A_88 = arith.subf %gather3A_82, %gather3A_81 : vector<16xf32>
        %mul3A_89 = arith.mulf %div3A, %sub3A_88 : vector<16xf32>
        %add3A_90 = arith.addf %gather3A_81, %mul3A_89 : vector<16xf32>
        %mul3A_91 = arith.constant 16 : i32
        %mul3A_92 = arith.muli %add3A_24, %mul3A_91 : i32
        %get3A_93 = arith.constant 1 : i32
        %get3A_94 = arith.constant 0 : i32
        %get3A_95 = arith.index_cast %get3A_93 : i32 to index
        %get3A_96 = arith.index_cast %get3A_94 : i32 to index
        %get3A_97 = arith.index_cast %mul3A_92 : i32 to index
        %get3A_98 = tpu.vector_load %arg9[%get3A_95, %get3A_96, %get3A_97] {strides = array<i32>} : memref<4x3x256xf32, #tpu.memory_space<vmem>>, vector<16xf32>,
        %broadcast_in_dim3A_99 = arith.constant 0 : i32
        %broadcast_in_dim3A_100 = vector.broadcast %broadcast_in_dim3A_99 : i32 to vector<16xi32>
        %add3A_101 = arith.constant 8 : i32
        %add3A_102 = vector.broadcast %add3A_101 : i32 to vector<16xi32>
        %add3A_103 = arith.addi %broadcast_in_dim3A_100, %add3A_102 : vector<16xi32>
        %sub3A_104 = arith.constant 1 : i32
        %sub3A_105 = vector.broadcast %sub3A_104 : i32 to vector<16xi32>
        %sub3A_106 = arith.subi %add3A_103, %sub3A_105 : vector<16xi32>
        %gather3A_107 = tpu.vector_load_idx %arg7[%broadcast_in_dim3A_29, %add3A_28, %sub3A_106] : memref<3x256x16xf32, #tpu.memory_space<vmem>>[vector<16xi32>, vector<16xi32>, vector<16xi32>], vector<16xf32>,
        %lt3A_108 = arith.cmpf olt, %gather3A_107, %get3A_98 : vector<16xf32>
        %select_n3A_109 = arith.select %lt3A_108, %add3A_103, %broadcast_in_dim3A_100 : vector<16xi1>, vector<16xi32>
        %add3A_110 = arith.constant 4 : i32
        %add3A_111 = vector.broadcast %add3A_110 : i32 to vector<16xi32>
        %add3A_112 = arith.addi %select_n3A_109, %add3A_111 : vector<16xi32>
        %sub3A_113 = arith.constant 1 : i32
        %sub3A_114 = vector.broadcast %sub3A_113 : i32 to vector<16xi32>
        %sub3A_115 = arith.subi %add3A_112, %sub3A_114 : vector<16xi32>
        %gather3A_116 = tpu.vector_load_idx %arg7[%broadcast_in_dim3A_29, %add3A_28, %sub3A_115] : memref<3x256x16xf32, #tpu.memory_space<vmem>>[vector<16xi32>, vector<16xi32>, vector<16xi32>], vector<16xf32>,
        %lt3A_117 = arith.cmpf olt, %gather3A_116, %get3A_98 : vector<16xf32>
        %select_n3A_118 = arith.select %lt3A_117, %add3A_112, %select_n3A_109 : vector<16xi1>, vector<16xi32>
        %add3A_119 = arith.constant 2 : i32
        %add3A_120 = vector.broadcast %add3A_119 : i32 to vector<16xi32>
        %add3A_121 = arith.addi %select_n3A_118, %add3A_120 : vector<16xi32>
        %sub3A_122 = arith.constant 1 : i32
        %sub3A_123 = vector.broadcast %sub3A_122 : i32 to vector<16xi32>
        %sub3A_124 = arith.subi %add3A_121, %sub3A_123 : vector<16xi32>
        %gather3A_125 = tpu.vector_load_idx %arg7[%broadcast_in_dim3A_29, %add3A_28, %sub3A_124] : memref<3x256x16xf32, #tpu.memory_space<vmem>>[vector<16xi32>, vector<16xi32>, vector<16xi32>], vector<16xf32>,
        %lt3A_126 = arith.cmpf olt, %gather3A_125, %get3A_98 : vector<16xf32>
        %select_n3A_127 = arith.select %lt3A_126, %add3A_121, %select_n3A_118 : vector<16xi1>, vector<16xi32>
        %add3A_128 = arith.constant 1 : i32
        %add3A_129 = vector.broadcast %add3A_128 : i32 to vector<16xi32>
        %add3A_130 = arith.addi %select_n3A_127, %add3A_129 : vector<16xi32>
        %sub3A_131 = arith.constant 1 : i32
        %sub3A_132 = vector.broadcast %sub3A_131 : i32 to vector<16xi32>
        %sub3A_133 = arith.subi %add3A_130, %sub3A_132 : vector<16xi32>
        %gather3A_134 = tpu.vector_load_idx %arg7[%broadcast_in_dim3A_29, %add3A_28, %sub3A_133] : memref<3x256x16xf32, #tpu.memory_space<vmem>>[vector<16xi32>, vector<16xi32>, vector<16xi32>], vector<16xf32>,
        %lt3A_135 = arith.cmpf olt, %gather3A_134, %get3A_98 : vector<16xf32>
        %select_n3A_136 = arith.select %lt3A_135, %add3A_130, %select_n3A_127 : vector<16xi1>, vector<16xi32>
        %max3A_137 = arith.constant 1 : i32
        %max3A_138 = vector.broadcast %max3A_137 : i32 to vector<16xi32>
        %max3A_139 = arith.maxsi %select_n3A_136, %max3A_138 : vector<16xi32>
        %sub3A_140 = arith.constant 1 : i32
        %sub3A_141 = vector.broadcast %sub3A_140 : i32 to vector<16xi32>
        %sub3A_142 = arith.subi %max3A_139, %sub3A_141 : vector<16xi32>
        %gather3A_143 = tpu.vector_load_idx %arg7[%broadcast_in_dim3A_29, %add3A_28, %sub3A_142] : memref<3x256x16xf32, #tpu.memory_space<vmem>>[vector<16xi32>, vector<16xi32>, vector<16xi32>], vector<16xf32>,
        %gather3A_144 = tpu.vector_load_idx %arg7[%broadcast_in_dim3A_29, %add3A_28, %max3A_139] : memref<3x256x16xf32, #tpu.memory_space<vmem>>[vector<16xi32>, vector<16xi32>, vector<16xi32>], vector<16xf32>,
        %sub3A_145 = arith.constant 1 : i32
        %sub3A_146 = vector.broadcast %sub3A_145 : i32 to vector<16xi32>
        %sub3A_147 = arith.subi %max3A_139, %sub3A_146 : vector<16xi32>
        %gather3A_148 = tpu.vector_load_idx %arg8[%broadcast_in_dim3A_29, %add3A_28, %sub3A_147] : memref<3x256x16xf32, #tpu.memory_space<vmem>>[vector<16xi32>, vector<16xi32>, vector<16xi32>], vector<16xf32>,
        %gather3A_149 = tpu.vector_load_idx %arg8[%broadcast_in_dim3A_29, %add3A_28, %max3A_139] : memref<3x256x16xf32, #tpu.memory_space<vmem>>[vector<16xi32>, vector<16xi32>, vector<16xi32>], vector<16xf32>,
        %sub3A_150 = arith.subf %get3A_98, %gather3A_143 : vector<16xf32>
        %sub3A_151 = arith.subf %gather3A_144, %gather3A_143 : vector<16xf32>
        %add3A_152 = arith.constant 9.99999993E-9 : f32
        %add3A_153 = vector.broadcast %add3A_152 : f32 to vector<16xf32>
        %add3A_154 = arith.addf %sub3A_151, %add3A_153 : vector<16xf32>
        %div3A_155 = arith.divf %sub3A_150, %add3A_154 : vector<16xf32>
        %sub3A_156 = arith.subf %gather3A_149, %gather3A_148 : vector<16xf32>
        %mul3A_157 = arith.mulf %div3A_155, %sub3A_156 : vector<16xf32>
        %add3A_158 = arith.addf %gather3A_148, %mul3A_157 : vector<16xf32>
        %mul3A_159 = arith.constant 16 : i32
        %mul3A_160 = arith.muli %add3A_24, %mul3A_159 : i32
        %get3A_161 = arith.constant 2 : i32
        %get3A_162 = arith.constant 0 : i32
        %get3A_163 = arith.index_cast %get3A_161 : i32 to index
        %get3A_164 = arith.index_cast %get3A_162 : i32 to index
        %get3A_165 = arith.index_cast %mul3A_160 : i32 to index
        %get3A_166 = tpu.vector_load %arg9[%get3A_163, %get3A_164, %get3A_165] {strides = array<i32>} : memref<4x3x256xf32, #tpu.memory_space<vmem>>, vector<16xf32>,
        %broadcast_in_dim3A_167 = arith.constant 0 : i32
        %broadcast_in_dim3A_168 = vector.broadcast %broadcast_in_dim3A_167 : i32 to vector<16xi32>
        %add3A_169 = arith.constant 8 : i32
        %add3A_170 = vector.broadcast %add3A_169 : i32 to vector<16xi32>
        %add3A_171 = arith.addi %broadcast_in_dim3A_168, %add3A_170 : vector<16xi32>
        %sub3A_172 = arith.constant 1 : i32
        %sub3A_173 = vector.broadcast %sub3A_172 : i32 to vector<16xi32>
        %sub3A_174 = arith.subi %add3A_171, %sub3A_173 : vector<16xi32>
        %gather3A_175 = tpu.vector_load_idx %arg7[%broadcast_in_dim3A_29, %add3A_28, %sub3A_174] : memref<3x256x16xf32, #tpu.memory_space<vmem>>[vector<16xi32>, vector<16xi32>, vector<16xi32>], vector<16xf32>,
        %lt3A_176 = arith.cmpf olt, %gather3A_175, %get3A_166 : vector<16xf32>
        %select_n3A_177 = arith.select %lt3A_176, %add3A_171, %broadcast_in_dim3A_168 : vector<16xi1>, vector<16xi32>
        %add3A_178 = arith.constant 4 : i32
        %add3A_179 = vector.broadcast %add3A_178 : i32 to vector<16xi32>
        %add3A_180 = arith.addi %select_n3A_177, %add3A_179 : vector<16xi32>
        %sub3A_181 = arith.constant 1 : i32
        %sub3A_182 = vector.broadcast %sub3A_181 : i32 to vector<16xi32>
        %sub3A_183 = arith.subi %add3A_180, %sub3A_182 : vector<16xi32>
        %gather3A_184 = tpu.vector_load_idx %arg7[%broadcast_in_dim3A_29, %add3A_28, %sub3A_183] : memref<3x256x16xf32, #tpu.memory_space<vmem>>[vector<16xi32>, vector<16xi32>, vector<16xi32>], vector<16xf32>,
        %lt3A_185 = arith.cmpf olt, %gather3A_184, %get3A_166 : vector<16xf32>
        %select_n3A_186 = arith.select %lt3A_185, %add3A_180, %select_n3A_177 : vector<16xi1>, vector<16xi32>
        %add3A_187 = arith.constant 2 : i32
        %add3A_188 = vector.broadcast %add3A_187 : i32 to vector<16xi32>
        %add3A_189 = arith.addi %select_n3A_186, %add3A_188 : vector<16xi32>
        %sub3A_190 = arith.constant 1 : i32
        %sub3A_191 = vector.broadcast %sub3A_190 : i32 to vector<16xi32>
        %sub3A_192 = arith.subi %add3A_189, %sub3A_191 : vector<16xi32>
        %gather3A_193 = tpu.vector_load_idx %arg7[%broadcast_in_dim3A_29, %add3A_28, %sub3A_192] : memref<3x256x16xf32, #tpu.memory_space<vmem>>[vector<16xi32>, vector<16xi32>, vector<16xi32>], vector<16xf32>,
        %lt3A_194 = arith.cmpf olt, %gather3A_193, %get3A_166 : vector<16xf32>
        %select_n3A_195 = arith.select %lt3A_194, %add3A_189, %select_n3A_186 : vector<16xi1>, vector<16xi32>
        %add3A_196 = arith.constant 1 : i32
        %add3A_197 = vector.broadcast %add3A_196 : i32 to vector<16xi32>
        %add3A_198 = arith.addi %select_n3A_195, %add3A_197 : vector<16xi32>
        %sub3A_199 = arith.constant 1 : i32
        %sub3A_200 = vector.broadcast %sub3A_199 : i32 to vector<16xi32>
        %sub3A_201 = arith.subi %add3A_198, %sub3A_200 : vector<16xi32>
        %gather3A_202 = tpu.vector_load_idx %arg7[%broadcast_in_dim3A_29, %add3A_28, %sub3A_201] : memref<3x256x16xf32, #tpu.memory_space<vmem>>[vector<16xi32>, vector<16xi32>, vector<16xi32>], vector<16xf32>,
        %lt3A_203 = arith.cmpf olt, %gather3A_202, %get3A_166 : vector<16xf32>
        %select_n3A_204 = arith.select %lt3A_203, %add3A_198, %select_n3A_195 : vector<16xi1>, vector<16xi32>
        %max3A_205 = arith.constant 1 : i32
        %max3A_206 = vector.broadcast %max3A_205 : i32 to vector<16xi32>
        %max3A_207 = arith.maxsi %select_n3A_204, %max3A_206 : vector<16xi32>
        %sub3A_208 = arith.constant 1 : i32
        %sub3A_209 = vector.broadcast %sub3A_208 : i32 to vector<16xi32>
        %sub3A_210 = arith.subi %max3A_207, %sub3A_209 : vector<16xi32>
        %gather3A_211 = tpu.vector_load_idx %arg7[%broadcast_in_dim3A_29, %add3A_28, %sub3A_210] : memref<3x256x16xf32, #tpu.memory_space<vmem>>[vector<16xi32>, vector<16xi32>, vector<16xi32>], vector<16xf32>,
        %gather3A_212 = tpu.vector_load_idx %arg7[%broadcast_in_dim3A_29, %add3A_28, %max3A_207] : memref<3x256x16xf32, #tpu.memory_space<vmem>>[vector<16xi32>, vector<16xi32>, vector<16xi32>], vector<16xf32>,
        %sub3A_213 = arith.constant 1 : i32
        %sub3A_214 = vector.broadcast %sub3A_213 : i32 to vector<16xi32>
        %sub3A_215 = arith.subi %max3A_207, %sub3A_214 : vector<16xi32>
        %gather3A_216 = tpu.vector_load_idx %arg8[%broadcast_in_dim3A_29, %add3A_28, %sub3A_215] : memref<3x256x16xf32, #tpu.memory_space<vmem>>[vector<16xi32>, vector<16xi32>, vector<16xi32>], vector<16xf32>,
        %gather3A_217 = tpu.vector_load_idx %arg8[%broadcast_in_dim3A_29, %add3A_28, %max3A_207] : memref<3x256x16xf32, #tpu.memory_space<vmem>>[vector<16xi32>, vector<16xi32>, vector<16xi32>], vector<16xf32>,
        %sub3A_218 = arith.subf %get3A_166, %gather3A_211 : vector<16xf32>
        %sub3A_219 = arith.subf %gather3A_212, %gather3A_211 : vector<16xf32>
        %add3A_220 = arith.constant 9.99999993E-9 : f32
        %add3A_221 = vector.broadcast %add3A_220 : f32 to vector<16xf32>
        %add3A_222 = arith.addf %sub3A_219, %add3A_221 : vector<16xf32>
        %div3A_223 = arith.divf %sub3A_218, %add3A_222 : vector<16xf32>
        %sub3A_224 = arith.subf %gather3A_217, %gather3A_216 : vector<16xf32>
        %mul3A_225 = arith.mulf %div3A_223, %sub3A_224 : vector<16xf32>
        %add3A_226 = arith.addf %gather3A_216, %mul3A_225 : vector<16xf32>
        %mul3A_227 = arith.constant 16 : i32
        %mul3A_228 = arith.muli %add3A_24, %mul3A_227 : i32
        %get3A_229 = arith.constant 3 : i32
        %get3A_230 = arith.constant 0 : i32
        %get3A_231 = arith.index_cast %get3A_229 : i32 to index
        %get3A_232 = arith.index_cast %get3A_230 : i32 to index
        %get3A_233 = arith.index_cast %mul3A_228 : i32 to index
        %get3A_234 = tpu.vector_load %arg9[%get3A_231, %get3A_232, %get3A_233] {strides = array<i32>} : memref<4x3x256xf32, #tpu.memory_space<vmem>>, vector<16xf32>,
        %broadcast_in_dim3A_235 = arith.constant 0 : i32
        %broadcast_in_dim3A_236 = vector.broadcast %broadcast_in_dim3A_235 : i32 to vector<16xi32>
        %add3A_237 = arith.constant 8 : i32
        %add3A_238 = vector.broadcast %add3A_237 : i32 to vector<16xi32>
        %add3A_239 = arith.addi %broadcast_in_dim3A_236, %add3A_238 : vector<16xi32>
        %sub3A_240 = arith.constant 1 : i32
        %sub3A_241 = vector.broadcast %sub3A_240 : i32 to vector<16xi32>
        %sub3A_242 = arith.subi %add3A_239, %sub3A_241 : vector<16xi32>
        %gather3A_243 = tpu.vector_load_idx %arg7[%broadcast_in_dim3A_29, %add3A_28, %sub3A_242] : memref<3x256x16xf32, #tpu.memory_space<vmem>>[vector<16xi32>, vector<16xi32>, vector<16xi32>], vector<16xf32>,
        %lt3A_244 = arith.cmpf olt, %gather3A_243, %get3A_234 : vector<16xf32>
        %select_n3A_245 = arith.select %lt3A_244, %add3A_239, %broadcast_in_dim3A_236 : vector<16xi1>, vector<16xi32>
        %add3A_246 = arith.constant 4 : i32
        %add3A_247 = vector.broadcast %add3A_246 : i32 to vector<16xi32>
        %add3A_248 = arith.addi %select_n3A_245, %add3A_247 : vector<16xi32>
        %sub3A_249 = arith.constant 1 : i32
        %sub3A_250 = vector.broadcast %sub3A_249 : i32 to vector<16xi32>
        %sub3A_251 = arith.subi %add3A_248, %sub3A_250 : vector<16xi32>
        %gather3A_252 = tpu.vector_load_idx %arg7[%broadcast_in_dim3A_29, %add3A_28, %sub3A_251] : memref<3x256x16xf32, #tpu.memory_space<vmem>>[vector<16xi32>, vector<16xi32>, vector<16xi32>], vector<16xf32>,
        %lt3A_253 = arith.cmpf olt, %gather3A_252, %get3A_234 : vector<16xf32>
        %select_n3A_254 = arith.select %lt3A_253, %add3A_248, %select_n3A_245 : vector<16xi1>, vector<16xi32>
        %add3A_255 = arith.constant 2 : i32
        %add3A_256 = vector.broadcast %add3A_255 : i32 to vector<16xi32>
        %add3A_257 = arith.addi %select_n3A_254, %add3A_256 : vector<16xi32>
        %sub3A_258 = arith.constant 1 : i32
        %sub3A_259 = vector.broadcast %sub3A_258 : i32 to vector<16xi32>
        %sub3A_260 = arith.subi %add3A_257, %sub3A_259 : vector<16xi32>
        %gather3A_261 = tpu.vector_load_idx %arg7[%broadcast_in_dim3A_29, %add3A_28, %sub3A_260] : memref<3x256x16xf32, #tpu.memory_space<vmem>>[vector<16xi32>, vector<16xi32>, vector<16xi32>], vector<16xf32>,
        %lt3A_262 = arith.cmpf olt, %gather3A_261, %get3A_234 : vector<16xf32>
        %select_n3A_263 = arith.select %lt3A_262, %add3A_257, %select_n3A_254 : vector<16xi1>, vector<16xi32>
        %add3A_264 = arith.constant 1 : i32
        %add3A_265 = vector.broadcast %add3A_264 : i32 to vector<16xi32>
        %add3A_266 = arith.addi %select_n3A_263, %add3A_265 : vector<16xi32>
        %sub3A_267 = arith.constant 1 : i32
        %sub3A_268 = vector.broadcast %sub3A_267 : i32 to vector<16xi32>
        %sub3A_269 = arith.subi %add3A_266, %sub3A_268 : vector<16xi32>
        %gather3A_270 = tpu.vector_load_idx %arg7[%broadcast_in_dim3A_29, %add3A_28, %sub3A_269] : memref<3x256x16xf32, #tpu.memory_space<vmem>>[vector<16xi32>, vector<16xi32>, vector<16xi32>], vector<16xf32>,
        %lt3A_271 = arith.cmpf olt, %gather3A_270, %get3A_234 : vector<16xf32>
        %select_n3A_272 = arith.select %lt3A_271, %add3A_266, %select_n3A_263 : vector<16xi1>, vector<16xi32>
        %max3A_273 = arith.constant 1 : i32
        %max3A_274 = vector.broadcast %max3A_273 : i32 to vector<16xi32>
        %max3A_275 = arith.maxsi %select_n3A_272, %max3A_274 : vector<16xi32>
        %sub3A_276 = arith.constant 1 : i32
        %sub3A_277 = vector.broadcast %sub3A_276 : i32 to vector<16xi32>
        %sub3A_278 = arith.subi %max3A_275, %sub3A_277 : vector<16xi32>
        %gather3A_279 = tpu.vector_load_idx %arg7[%broadcast_in_dim3A_29, %add3A_28, %sub3A_278] : memref<3x256x16xf32, #tpu.memory_space<vmem>>[vector<16xi32>, vector<16xi32>, vector<16xi32>], vector<16xf32>,
        %gather3A_280 = tpu.vector_load_idx %arg7[%broadcast_in_dim3A_29, %add3A_28, %max3A_275] : memref<3x256x16xf32, #tpu.memory_space<vmem>>[vector<16xi32>, vector<16xi32>, vector<16xi32>], vector<16xf32>,
        %sub3A_281 = arith.constant 1 : i32
        %sub3A_282 = vector.broadcast %sub3A_281 : i32 to vector<16xi32>
        %sub3A_283 = arith.subi %max3A_275, %sub3A_282 : vector<16xi32>
        %gather3A_284 = tpu.vector_load_idx %arg8[%broadcast_in_dim3A_29, %add3A_28, %sub3A_283] : memref<3x256x16xf32, #tpu.memory_space<vmem>>[vector<16xi32>, vector<16xi32>, vector<16xi32>], vector<16xf32>,
        %gather3A_285 = tpu.vector_load_idx %arg8[%broadcast_in_dim3A_29, %add3A_28, %max3A_275] : memref<3x256x16xf32, #tpu.memory_space<vmem>>[vector<16xi32>, vector<16xi32>, vector<16xi32>], vector<16xf32>,
        %sub3A_286 = arith.subf %get3A_234, %gather3A_279 : vector<16xf32>
        %sub3A_287 = arith.subf %gather3A_280, %gather3A_279 : vector<16xf32>
        %add3A_288 = arith.constant 9.99999993E-9 : f32
        %add3A_289 = vector.broadcast %add3A_288 : f32 to vector<16xf32>
        %add3A_290 = arith.addf %sub3A_287, %add3A_289 : vector<16xf32>
        %div3A_291 = arith.divf %sub3A_286, %add3A_290 : vector<16xf32>
        %sub3A_292 = arith.subf %gather3A_285, %gather3A_284 : vector<16xf32>
        %mul3A_293 = arith.mulf %div3A_291, %sub3A_292 : vector<16xf32>
        %add3A_294 = arith.addf %gather3A_284, %mul3A_293 : vector<16xf32>
        %broadcast_in_dim3A_295 = arith.constant 1 : i32
        %broadcast_in_dim3A_296 = vector.broadcast %broadcast_in_dim3A_295 : i32 to vector<16xi32>
        %mul3A_297 = arith.constant 16 : i32
        %mul3A_298 = arith.muli %add3A_24, %mul3A_297 : i32
        %get3A_299 = arith.constant 0 : i32
        %get3A_300 = arith.constant 1 : i32
        %get3A_301 = arith.index_cast %get3A_299 : i32 to index
        %get3A_302 = arith.index_cast %get3A_300 : i32 to index
        %get3A_303 = arith.index_cast %mul3A_298 : i32 to index
        %get3A_304 = tpu.vector_load %arg9[%get3A_301, %get3A_302, %get3A_303] {strides = array<i32>} : memref<4x3x256xf32, #tpu.memory_space<vmem>>, vector<16xf32>,
        %broadcast_in_dim3A_305 = arith.constant 0 : i32
        %broadcast_in_dim3A_306 = vector.broadcast %broadcast_in_dim3A_305 : i32 to vector<16xi32>
        %add3A_307 = arith.constant 8 : i32
        %add3A_308 = vector.broadcast %add3A_307 : i32 to vector<16xi32>
        %add3A_309 = arith.addi %broadcast_in_dim3A_306, %add3A_308 : vector<16xi32>
        %sub3A_310 = arith.constant 1 : i32
        %sub3A_311 = vector.broadcast %sub3A_310 : i32 to vector<16xi32>
        %sub3A_312 = arith.subi %add3A_309, %sub3A_311 : vector<16xi32>
        %gather3A_313 = tpu.vector_load_idx %arg7[%broadcast_in_dim3A_296, %add3A_28, %sub3A_312] : memref<3x256x16xf32, #tpu.memory_space<vmem>>[vector<16xi32>, vector<16xi32>, vector<16xi32>], vector<16xf32>,
        %lt3A_314 = arith.cmpf olt, %gather3A_313, %get3A_304 : vector<16xf32>
        %select_n3A_315 = arith.select %lt3A_314, %add3A_309, %broadcast_in_dim3A_306 : vector<16xi1>, vector<16xi32>
        %add3A_316 = arith.constant 4 : i32
        %add3A_317 = vector.broadcast %add3A_316 : i32 to vector<16xi32>
        %add3A_318 = arith.addi %select_n3A_315, %add3A_317 : vector<16xi32>
        %sub3A_319 = arith.constant 1 : i32
        %sub3A_320 = vector.broadcast %sub3A_319 : i32 to vector<16xi32>
        %sub3A_321 = arith.subi %add3A_318, %sub3A_320 : vector<16xi32>
        %gather3A_322 = tpu.vector_load_idx %arg7[%broadcast_in_dim3A_296, %add3A_28, %sub3A_321] : memref<3x256x16xf32, #tpu.memory_space<vmem>>[vector<16xi32>, vector<16xi32>, vector<16xi32>], vector<16xf32>,
        %lt3A_323 = arith.cmpf olt, %gather3A_322, %get3A_304 : vector<16xf32>
        %select_n3A_324 = arith.select %lt3A_323, %add3A_318, %select_n3A_315 : vector<16xi1>, vector<16xi32>
        %add3A_325 = arith.constant 2 : i32
        %add3A_326 = vector.broadcast %add3A_325 : i32 to vector<16xi32>
        %add3A_327 = arith.addi %select_n3A_324, %add3A_326 : vector<16xi32>
        %sub3A_328 = arith.constant 1 : i32
        %sub3A_329 = vector.broadcast %sub3A_328 : i32 to vector<16xi32>
        %sub3A_330 = arith.subi %add3A_327, %sub3A_329 : vector<16xi32>
        %gather3A_331 = tpu.vector_load_idx %arg7[%broadcast_in_dim3A_296, %add3A_28, %sub3A_330] : memref<3x256x16xf32, #tpu.memory_space<vmem>>[vector<16xi32>, vector<16xi32>, vector<16xi32>], vector<16xf32>,
        %lt3A_332 = arith.cmpf olt, %gather3A_331, %get3A_304 : vector<16xf32>
        %select_n3A_333 = arith.select %lt3A_332, %add3A_327, %select_n3A_324 : vector<16xi1>, vector<16xi32>
        %add3A_334 = arith.constant 1 : i32
        %add3A_335 = vector.broadcast %add3A_334 : i32 to vector<16xi32>
        %add3A_336 = arith.addi %select_n3A_333, %add3A_335 : vector<16xi32>
        %sub3A_337 = arith.constant 1 : i32
        %sub3A_338 = vector.broadcast %sub3A_337 : i32 to vector<16xi32>
        %sub3A_339 = arith.subi %add3A_336, %sub3A_338 : vector<16xi32>
        %gather3A_340 = tpu.vector_load_idx %arg7[%broadcast_in_dim3A_296, %add3A_28, %sub3A_339] : memref<3x256x16xf32, #tpu.memory_space<vmem>>[vector<16xi32>, vector<16xi32>, vector<16xi32>], vector<16xf32>,
        %lt3A_341 = arith.cmpf olt, %gather3A_340, %get3A_304 : vector<16xf32>
        %select_n3A_342 = arith.select %lt3A_341, %add3A_336, %select_n3A_333 : vector<16xi1>, vector<16xi32>
        %max3A_343 = arith.constant 1 : i32
        %max3A_344 = vector.broadcast %max3A_343 : i32 to vector<16xi32>
        %max3A_345 = arith.maxsi %select_n3A_342, %max3A_344 : vector<16xi32>
        %sub3A_346 = arith.constant 1 : i32
        %sub3A_347 = vector.broadcast %sub3A_346 : i32 to vector<16xi32>
        %sub3A_348 = arith.subi %max3A_345, %sub3A_347 : vector<16xi32>
        %gather3A_349 = tpu.vector_load_idx %arg7[%broadcast_in_dim3A_296, %add3A_28, %sub3A_348] : memref<3x256x16xf32, #tpu.memory_space<vmem>>[vector<16xi32>, vector<16xi32>, vector<16xi32>], vector<16xf32>,
        %gather3A_350 = tpu.vector_load_idx %arg7[%broadcast_in_dim3A_296, %add3A_28, %max3A_345] : memref<3x256x16xf32, #tpu.memory_space<vmem>>[vector<16xi32>, vector<16xi32>, vector<16xi32>], vector<16xf32>,
        %sub3A_351 = arith.constant 1 : i32
        %sub3A_352 = vector.broadcast %sub3A_351 : i32 to vector<16xi32>
        %sub3A_353 = arith.subi %max3A_345, %sub3A_352 : vector<16xi32>
        %gather3A_354 = tpu.vector_load_idx %arg8[%broadcast_in_dim3A_296, %add3A_28, %sub3A_353] : memref<3x256x16xf32, #tpu.memory_space<vmem>>[vector<16xi32>, vector<16xi32>, vector<16xi32>], vector<16xf32>,
        %gather3A_355 = tpu.vector_load_idx %arg8[%broadcast_in_dim3A_296, %add3A_28, %max3A_345] : memref<3x256x16xf32, #tpu.memory_space<vmem>>[vector<16xi32>, vector<16xi32>, vector<16xi32>], vector<16xf32>,
        %sub3A_356 = arith.subf %get3A_304, %gather3A_349 : vector<16xf32>
        %sub3A_357 = arith.subf %gather3A_350, %gather3A_349 : vector<16xf32>
        %add3A_358 = arith.constant 9.99999993E-9 : f32
        %add3A_359 = vector.broadcast %add3A_358 : f32 to vector<16xf32>
        %add3A_360 = arith.addf %sub3A_357, %add3A_359 : vector<16xf32>
        %div3A_361 = arith.divf %sub3A_356, %add3A_360 : vector<16xf32>
        %sub3A_362 = arith.subf %gather3A_355, %gather3A_354 : vector<16xf32>
        %mul3A_363 = arith.mulf %div3A_361, %sub3A_362 : vector<16xf32>
        %add3A_364 = arith.addf %gather3A_354, %mul3A_363 : vector<16xf32>
        %mul3A_365 = arith.constant 16 : i32
        %mul3A_366 = arith.muli %add3A_24, %mul3A_365 : i32
        %get3A_367 = arith.constant 1 : i32
        %get3A_368 = arith.constant 1 : i32
        %get3A_369 = arith.index_cast %get3A_367 : i32 to index
        %get3A_370 = arith.index_cast %get3A_368 : i32 to index
        %get3A_371 = arith.index_cast %mul3A_366 : i32 to index
        %get3A_372 = tpu.vector_load %arg9[%get3A_369, %get3A_370, %get3A_371] {strides = array<i32>} : memref<4x3x256xf32, #tpu.memory_space<vmem>>, vector<16xf32>,
        %broadcast_in_dim3A_373 = arith.constant 0 : i32
        %broadcast_in_dim3A_374 = vector.broadcast %broadcast_in_dim3A_373 : i32 to vector<16xi32>
        %add3A_375 = arith.constant 8 : i32
        %add3A_376 = vector.broadcast %add3A_375 : i32 to vector<16xi32>
        %add3A_377 = arith.addi %broadcast_in_dim3A_374, %add3A_376 : vector<16xi32>
        %sub3A_378 = arith.constant 1 : i32
        %sub3A_379 = vector.broadcast %sub3A_378 : i32 to vector<16xi32>
        %sub3A_380 = arith.subi %add3A_377, %sub3A_379 : vector<16xi32>
        %gather3A_381 = tpu.vector_load_idx %arg7[%broadcast_in_dim3A_296, %add3A_28, %sub3A_380] : memref<3x256x16xf32, #tpu.memory_space<vmem>>[vector<16xi32>, vector<16xi32>, vector<16xi32>], vector<16xf32>,
        %lt3A_382 = arith.cmpf olt, %gather3A_381, %get3A_372 : vector<16xf32>
        %select_n3A_383 = arith.select %lt3A_382, %add3A_377, %broadcast_in_dim3A_374 : vector<16xi1>, vector<16xi32>
        %add3A_384 = arith.constant 4 : i32
        %add3A_385 = vector.broadcast %add3A_384 : i32 to vector<16xi32>
        %add3A_386 = arith.addi %select_n3A_383, %add3A_385 : vector<16xi32>
        %sub3A_387 = arith.constant 1 : i32
        %sub3A_388 = vector.broadcast %sub3A_387 : i32 to vector<16xi32>
        %sub3A_389 = arith.subi %add3A_386, %sub3A_388 : vector<16xi32>
        %gather3A_390 = tpu.vector_load_idx %arg7[%broadcast_in_dim3A_296, %add3A_28, %sub3A_389] : memref<3x256x16xf32, #tpu.memory_space<vmem>>[vector<16xi32>, vector<16xi32>, vector<16xi32>], vector<16xf32>,
        %lt3A_391 = arith.cmpf olt, %gather3A_390, %get3A_372 : vector<16xf32>
        %select_n3A_392 = arith.select %lt3A_391, %add3A_386, %select_n3A_383 : vector<16xi1>, vector<16xi32>
        %add3A_393 = arith.constant 2 : i32
        %add3A_394 = vector.broadcast %add3A_393 : i32 to vector<16xi32>
        %add3A_395 = arith.addi %select_n3A_392, %add3A_394 : vector<16xi32>
        %sub3A_396 = arith.constant 1 : i32
        %sub3A_397 = vector.broadcast %sub3A_396 : i32 to vector<16xi32>
        %sub3A_398 = arith.subi %add3A_395, %sub3A_397 : vector<16xi32>
        %gather3A_399 = tpu.vector_load_idx %arg7[%broadcast_in_dim3A_296, %add3A_28, %sub3A_398] : memref<3x256x16xf32, #tpu.memory_space<vmem>>[vector<16xi32>, vector<16xi32>, vector<16xi32>], vector<16xf32>,
        %lt3A_400 = arith.cmpf olt, %gather3A_399, %get3A_372 : vector<16xf32>
        %select_n3A_401 = arith.select %lt3A_400, %add3A_395, %select_n3A_392 : vector<16xi1>, vector<16xi32>
        %add3A_402 = arith.constant 1 : i32
        %add3A_403 = vector.broadcast %add3A_402 : i32 to vector<16xi32>
        %add3A_404 = arith.addi %select_n3A_401, %add3A_403 : vector<16xi32>
        %sub3A_405 = arith.constant 1 : i32
        %sub3A_406 = vector.broadcast %sub3A_405 : i32 to vector<16xi32>
        %sub3A_407 = arith.subi %add3A_404, %sub3A_406 : vector<16xi32>
        %gather3A_408 = tpu.vector_load_idx %arg7[%broadcast_in_dim3A_296, %add3A_28, %sub3A_407] : memref<3x256x16xf32, #tpu.memory_space<vmem>>[vector<16xi32>, vector<16xi32>, vector<16xi32>], vector<16xf32>,
        %lt3A_409 = arith.cmpf olt, %gather3A_408, %get3A_372 : vector<16xf32>
        %select_n3A_410 = arith.select %lt3A_409, %add3A_404, %select_n3A_401 : vector<16xi1>, vector<16xi32>
        %max3A_411 = arith.constant 1 : i32
        %max3A_412 = vector.broadcast %max3A_411 : i32 to vector<16xi32>
        %max3A_413 = arith.maxsi %select_n3A_410, %max3A_412 : vector<16xi32>
        %sub3A_414 = arith.constant 1 : i32
        %sub3A_415 = vector.broadcast %sub3A_414 : i32 to vector<16xi32>
        %sub3A_416 = arith.subi %max3A_413, %sub3A_415 : vector<16xi32>
        %gather3A_417 = tpu.vector_load_idx %arg7[%broadcast_in_dim3A_296, %add3A_28, %sub3A_416] : memref<3x256x16xf32, #tpu.memory_space<vmem>>[vector<16xi32>, vector<16xi32>, vector<16xi32>], vector<16xf32>,
        %gather3A_418 = tpu.vector_load_idx %arg7[%broadcast_in_dim3A_296, %add3A_28, %max3A_413] : memref<3x256x16xf32, #tpu.memory_space<vmem>>[vector<16xi32>, vector<16xi32>, vector<16xi32>], vector<16xf32>,
        %sub3A_419 = arith.constant 1 : i32
        %sub3A_420 = vector.broadcast %sub3A_419 : i32 to vector<16xi32>
        %sub3A_421 = arith.subi %max3A_413, %sub3A_420 : vector<16xi32>
        %gather3A_422 = tpu.vector_load_idx %arg8[%broadcast_in_dim3A_296, %add3A_28, %sub3A_421] : memref<3x256x16xf32, #tpu.memory_space<vmem>>[vector<16xi32>, vector<16xi32>, vector<16xi32>], vector<16xf32>,
        %gather3A_423 = tpu.vector_load_idx %arg8[%broadcast_in_dim3A_296, %add3A_28, %max3A_413] : memref<3x256x16xf32, #tpu.memory_space<vmem>>[vector<16xi32>, vector<16xi32>, vector<16xi32>], vector<16xf32>,
        %sub3A_424 = arith.subf %get3A_372, %gather3A_417 : vector<16xf32>
        %sub3A_425 = arith.subf %gather3A_418, %gather3A_417 : vector<16xf32>
        %add3A_426 = arith.constant 9.99999993E-9 : f32
        %add3A_427 = vector.broadcast %add3A_426 : f32 to vector<16xf32>
        %add3A_428 = arith.addf %sub3A_425, %add3A_427 : vector<16xf32>
        %div3A_429 = arith.divf %sub3A_424, %add3A_428 : vector<16xf32>
        %sub3A_430 = arith.subf %gather3A_423, %gather3A_422 : vector<16xf32>
        %mul3A_431 = arith.mulf %div3A_429, %sub3A_430 : vector<16xf32>
        %add3A_432 = arith.addf %gather3A_422, %mul3A_431 : vector<16xf32>
        %mul3A_433 = arith.constant 16 : i32
        %mul3A_434 = arith.muli %add3A_24, %mul3A_433 : i32
        %get3A_435 = arith.constant 2 : i32
        %get3A_436 = arith.constant 1 : i32
        %get3A_437 = arith.index_cast %get3A_435 : i32 to index
        %get3A_438 = arith.index_cast %get3A_436 : i32 to index
        %get3A_439 = arith.index_cast %mul3A_434 : i32 to index
        %get3A_440 = tpu.vector_load %arg9[%get3A_437, %get3A_438, %get3A_439] {strides = array<i32>} : memref<4x3x256xf32, #tpu.memory_space<vmem>>, vector<16xf32>,
        %broadcast_in_dim3A_441 = arith.constant 0 : i32
        %broadcast_in_dim3A_442 = vector.broadcast %broadcast_in_dim3A_441 : i32 to vector<16xi32>
        %add3A_443 = arith.constant 8 : i32
        %add3A_444 = vector.broadcast %add3A_443 : i32 to vector<16xi32>
        %add3A_445 = arith.addi %broadcast_in_dim3A_442, %add3A_444 : vector<16xi32>
        %sub3A_446 = arith.constant 1 : i32
        %sub3A_447 = vector.broadcast %sub3A_446 : i32 to vector<16xi32>
        %sub3A_448 = arith.subi %add3A_445, %sub3A_447 : vector<16xi32>
        %gather3A_449 = tpu.vector_load_idx %arg7[%broadcast_in_dim3A_296, %add3A_28, %sub3A_448] : memref<3x256x16xf32, #tpu.memory_space<vmem>>[vector<16xi32>, vector<16xi32>, vector<16xi32>], vector<16xf32>,
        %lt3A_450 = arith.cmpf olt, %gather3A_449, %get3A_440 : vector<16xf32>
        %select_n3A_451 = arith.select %lt3A_450, %add3A_445, %broadcast_in_dim3A_442 : vector<16xi1>, vector<16xi32>
        %add3A_452 = arith.constant 4 : i32
        %add3A_453 = vector.broadcast %add3A_452 : i32 to vector<16xi32>
        %add3A_454 = arith.addi %select_n3A_451, %add3A_453 : vector<16xi32>
        %sub3A_455 = arith.constant 1 : i32
        %sub3A_456 = vector.broadcast %sub3A_455 : i32 to vector<16xi32>
        %sub3A_457 = arith.subi %add3A_454, %sub3A_456 : vector<16xi32>
        %gather3A_458 = tpu.vector_load_idx %arg7[%broadcast_in_dim3A_296, %add3A_28, %sub3A_457] : memref<3x256x16xf32, #tpu.memory_space<vmem>>[vector<16xi32>, vector<16xi32>, vector<16xi32>], vector<16xf32>,
        %lt3A_459 = arith.cmpf olt, %gather3A_458, %get3A_440 : vector<16xf32>
        %select_n3A_460 = arith.select %lt3A_459, %add3A_454, %select_n3A_451 : vector<16xi1>, vector<16xi32>
        %add3A_461 = arith.constant 2 : i32
        %add3A_462 = vector.broadcast %add3A_461 : i32 to vector<16xi32>
        %add3A_463 = arith.addi %select_n3A_460, %add3A_462 : vector<16xi32>
        %sub3A_464 = arith.constant 1 : i32
        %sub3A_465 = vector.broadcast %sub3A_464 : i32 to vector<16xi32>
        %sub3A_466 = arith.subi %add3A_463, %sub3A_465 : vector<16xi32>
        %gather3A_467 = tpu.vector_load_idx %arg7[%broadcast_in_dim3A_296, %add3A_28, %sub3A_466] : memref<3x256x16xf32, #tpu.memory_space<vmem>>[vector<16xi32>, vector<16xi32>, vector<16xi32>], vector<16xf32>,
        %lt3A_468 = arith.cmpf olt, %gather3A_467, %get3A_440 : vector<16xf32>
        %select_n3A_469 = arith.select %lt3A_468, %add3A_463, %select_n3A_460 : vector<16xi1>, vector<16xi32>
        %add3A_470 = arith.constant 1 : i32
        %add3A_471 = vector.broadcast %add3A_470 : i32 to vector<16xi32>
        %add3A_472 = arith.addi %select_n3A_469, %add3A_471 : vector<16xi32>
        %sub3A_473 = arith.constant 1 : i32
        %sub3A_474 = vector.broadcast %sub3A_473 : i32 to vector<16xi32>
        %sub3A_475 = arith.subi %add3A_472, %sub3A_474 : vector<16xi32>
        %gather3A_476 = tpu.vector_load_idx %arg7[%broadcast_in_dim3A_296, %add3A_28, %sub3A_475] : memref<3x256x16xf32, #tpu.memory_space<vmem>>[vector<16xi32>, vector<16xi32>, vector<16xi32>], vector<16xf32>,
        %lt3A_477 = arith.cmpf olt, %gather3A_476, %get3A_440 : vector<16xf32>
        %select_n3A_478 = arith.select %lt3A_477, %add3A_472, %select_n3A_469 : vector<16xi1>, vector<16xi32>
        %max3A_479 = arith.constant 1 : i32
        %max3A_480 = vector.broadcast %max3A_479 : i32 to vector<16xi32>
        %max3A_481 = arith.maxsi %select_n3A_478, %max3A_480 : vector<16xi32>
        %sub3A_482 = arith.constant 1 : i32
        %sub3A_483 = vector.broadcast %sub3A_482 : i32 to vector<16xi32>
        %sub3A_484 = arith.subi %max3A_481, %sub3A_483 : vector<16xi32>
        %gather3A_485 = tpu.vector_load_idx %arg7[%broadcast_in_dim3A_296, %add3A_28, %sub3A_484] : memref<3x256x16xf32, #tpu.memory_space<vmem>>[vector<16xi32>, vector<16xi32>, vector<16xi32>], vector<16xf32>,
        %gather3A_486 = tpu.vector_load_idx %arg7[%broadcast_in_dim3A_296, %add3A_28, %max3A_481] : memref<3x256x16xf32, #tpu.memory_space<vmem>>[vector<16xi32>, vector<16xi32>, vector<16xi32>], vector<16xf32>,
        %sub3A_487 = arith.constant 1 : i32
        %sub3A_488 = vector.broadcast %sub3A_487 : i32 to vector<16xi32>
        %sub3A_489 = arith.subi %max3A_481, %sub3A_488 : vector<16xi32>
        %gather3A_490 = tpu.vector_load_idx %arg8[%broadcast_in_dim3A_296, %add3A_28, %sub3A_489] : memref<3x256x16xf32, #tpu.memory_space<vmem>>[vector<16xi32>, vector<16xi32>, vector<16xi32>], vector<16xf32>,
        %gather3A_491 = tpu.vector_load_idx %arg8[%broadcast_in_dim3A_296, %add3A_28, %max3A_481] : memref<3x256x16xf32, #tpu.memory_space<vmem>>[vector<16xi32>, vector<16xi32>, vector<16xi32>], vector<16xf32>,
        %sub3A_492 = arith.subf %get3A_440, %gather3A_485 : vector<16xf32>
        %sub3A_493 = arith.subf %gather3A_486, %gather3A_485 : vector<16xf32>
        %add3A_494 = arith.constant 9.99999993E-9 : f32
        %add3A_495 = vector.broadcast %add3A_494 : f32 to vector<16xf32>
        %add3A_496 = arith.addf %sub3A_493, %add3A_495 : vector<16xf32>
        %div3A_497 = arith.divf %sub3A_492, %add3A_496 : vector<16xf32>
        %sub3A_498 = arith.subf %gather3A_491, %gather3A_490 : vector<16xf32>
        %mul3A_499 = arith.mulf %div3A_497, %sub3A_498 : vector<16xf32>
        %add3A_500 = arith.addf %gather3A_490, %mul3A_499 : vector<16xf32>
        %mul3A_501 = arith.constant 16 : i32
        %mul3A_502 = arith.muli %add3A_24, %mul3A_501 : i32
        %get3A_503 = arith.constant 3 : i32
        %get3A_504 = arith.constant 1 : i32
        %get3A_505 = arith.index_cast %get3A_503 : i32 to index
        %get3A_506 = arith.index_cast %get3A_504 : i32 to index
        %get3A_507 = arith.index_cast %mul3A_502 : i32 to index
        %get3A_508 = tpu.vector_load %arg9[%get3A_505, %get3A_506, %get3A_507] {strides = array<i32>} : memref<4x3x256xf32, #tpu.memory_space<vmem>>, vector<16xf32>,
        %broadcast_in_dim3A_509 = arith.constant 0 : i32
        %broadcast_in_dim3A_510 = vector.broadcast %broadcast_in_dim3A_509 : i32 to vector<16xi32>
        %add3A_511 = arith.constant 8 : i32
        %add3A_512 = vector.broadcast %add3A_511 : i32 to vector<16xi32>
        %add3A_513 = arith.addi %broadcast_in_dim3A_510, %add3A_512 : vector<16xi32>
        %sub3A_514 = arith.constant 1 : i32
        %sub3A_515 = vector.broadcast %sub3A_514 : i32 to vector<16xi32>
        %sub3A_516 = arith.subi %add3A_513, %sub3A_515 : vector<16xi32>
        %gather3A_517 = tpu.vector_load_idx %arg7[%broadcast_in_dim3A_296, %add3A_28, %sub3A_516] : memref<3x256x16xf32, #tpu.memory_space<vmem>>[vector<16xi32>, vector<16xi32>, vector<16xi32>], vector<16xf32>,
        %lt3A_518 = arith.cmpf olt, %gather3A_517, %get3A_508 : vector<16xf32>
        %select_n3A_519 = arith.select %lt3A_518, %add3A_513, %broadcast_in_dim3A_510 : vector<16xi1>, vector<16xi32>
        %add3A_520 = arith.constant 4 : i32
        %add3A_521 = vector.broadcast %add3A_520 : i32 to vector<16xi32>
        %add3A_522 = arith.addi %select_n3A_519, %add3A_521 : vector<16xi32>
        %sub3A_523 = arith.constant 1 : i32
        %sub3A_524 = vector.broadcast %sub3A_523 : i32 to vector<16xi32>
        %sub3A_525 = arith.subi %add3A_522, %sub3A_524 : vector<16xi32>
        %gather3A_526 = tpu.vector_load_idx %arg7[%broadcast_in_dim3A_296, %add3A_28, %sub3A_525] : memref<3x256x16xf32, #tpu.memory_space<vmem>>[vector<16xi32>, vector<16xi32>, vector<16xi32>], vector<16xf32>,
        %lt3A_527 = arith.cmpf olt, %gather3A_526, %get3A_508 : vector<16xf32>
        %select_n3A_528 = arith.select %lt3A_527, %add3A_522, %select_n3A_519 : vector<16xi1>, vector<16xi32>
        %add3A_529 = arith.constant 2 : i32
        %add3A_530 = vector.broadcast %add3A_529 : i32 to vector<16xi32>
        %add3A_531 = arith.addi %select_n3A_528, %add3A_530 : vector<16xi32>
        %sub3A_532 = arith.constant 1 : i32
        %sub3A_533 = vector.broadcast %sub3A_532 : i32 to vector<16xi32>
        %sub3A_534 = arith.subi %add3A_531, %sub3A_533 : vector<16xi32>
        %gather3A_535 = tpu.vector_load_idx %arg7[%broadcast_in_dim3A_296, %add3A_28, %sub3A_534] : memref<3x256x16xf32, #tpu.memory_space<vmem>>[vector<16xi32>, vector<16xi32>, vector<16xi32>], vector<16xf32>,
        %lt3A_536 = arith.cmpf olt, %gather3A_535, %get3A_508 : vector<16xf32>
        %select_n3A_537 = arith.select %lt3A_536, %add3A_531, %select_n3A_528 : vector<16xi1>, vector<16xi32>
        %add3A_538 = arith.constant 1 : i32
        %add3A_539 = vector.broadcast %add3A_538 : i32 to vector<16xi32>
        %add3A_540 = arith.addi %select_n3A_537, %add3A_539 : vector<16xi32>
        %sub3A_541 = arith.constant 1 : i32
        %sub3A_542 = vector.broadcast %sub3A_541 : i32 to vector<16xi32>
        %sub3A_543 = arith.subi %add3A_540, %sub3A_542 : vector<16xi32>
        %gather3A_544 = tpu.vector_load_idx %arg7[%broadcast_in_dim3A_296, %add3A_28, %sub3A_543] : memref<3x256x16xf32, #tpu.memory_space<vmem>>[vector<16xi32>, vector<16xi32>, vector<16xi32>], vector<16xf32>,
        %lt3A_545 = arith.cmpf olt, %gather3A_544, %get3A_508 : vector<16xf32>
        %select_n3A_546 = arith.select %lt3A_545, %add3A_540, %select_n3A_537 : vector<16xi1>, vector<16xi32>
        %max3A_547 = arith.constant 1 : i32
        %max3A_548 = vector.broadcast %max3A_547 : i32 to vector<16xi32>
        %max3A_549 = arith.maxsi %select_n3A_546, %max3A_548 : vector<16xi32>
        %sub3A_550 = arith.constant 1 : i32
        %sub3A_551 = vector.broadcast %sub3A_550 : i32 to vector<16xi32>
        %sub3A_552 = arith.subi %max3A_549, %sub3A_551 : vector<16xi32>
        %gather3A_553 = tpu.vector_load_idx %arg7[%broadcast_in_dim3A_296, %add3A_28, %sub3A_552] : memref<3x256x16xf32, #tpu.memory_space<vmem>>[vector<16xi32>, vector<16xi32>, vector<16xi32>], vector<16xf32>,
        %gather3A_554 = tpu.vector_load_idx %arg7[%broadcast_in_dim3A_296, %add3A_28, %max3A_549] : memref<3x256x16xf32, #tpu.memory_space<vmem>>[vector<16xi32>, vector<16xi32>, vector<16xi32>], vector<16xf32>,
        %sub3A_555 = arith.constant 1 : i32
        %sub3A_556 = vector.broadcast %sub3A_555 : i32 to vector<16xi32>
        %sub3A_557 = arith.subi %max3A_549, %sub3A_556 : vector<16xi32>
        %gather3A_558 = tpu.vector_load_idx %arg8[%broadcast_in_dim3A_296, %add3A_28, %sub3A_557] : memref<3x256x16xf32, #tpu.memory_space<vmem>>[vector<16xi32>, vector<16xi32>, vector<16xi32>], vector<16xf32>,
        %gather3A_559 = tpu.vector_load_idx %arg8[%broadcast_in_dim3A_296, %add3A_28, %max3A_549] : memref<3x256x16xf32, #tpu.memory_space<vmem>>[vector<16xi32>, vector<16xi32>, vector<16xi32>], vector<16xf32>,
        %sub3A_560 = arith.subf %get3A_508, %gather3A_553 : vector<16xf32>
        %sub3A_561 = arith.subf %gather3A_554, %gather3A_553 : vector<16xf32>
        %add3A_562 = arith.constant 9.99999993E-9 : f32
        %add3A_563 = vector.broadcast %add3A_562 : f32 to vector<16xf32>
        %add3A_564 = arith.addf %sub3A_561, %add3A_563 : vector<16xf32>
        %div3A_565 = arith.divf %sub3A_560, %add3A_564 : vector<16xf32>
        %sub3A_566 = arith.subf %gather3A_559, %gather3A_558 : vector<16xf32>
        %mul3A_567 = arith.mulf %div3A_565, %sub3A_566 : vector<16xf32>
        %add3A_568 = arith.addf %gather3A_558, %mul3A_567 : vector<16xf32>
        %broadcast_in_dim3A_569 = arith.constant 2 : i32
        %broadcast_in_dim3A_570 = vector.broadcast %broadcast_in_dim3A_569 : i32 to vector<16xi32>
        %mul3A_571 = arith.constant 16 : i32
        %mul3A_572 = arith.muli %add3A_24, %mul3A_571 : i32
        %get3A_573 = arith.constant 0 : i32
        %get3A_574 = arith.constant 2 : i32
        %get3A_575 = arith.index_cast %get3A_573 : i32 to index
        %get3A_576 = arith.index_cast %get3A_574 : i32 to index
        %get3A_577 = arith.index_cast %mul3A_572 : i32 to index
        %get3A_578 = tpu.vector_load %arg9[%get3A_575, %get3A_576, %get3A_577] {strides = array<i32>} : memref<4x3x256xf32, #tpu.memory_space<vmem>>, vector<16xf32>,
        %broadcast_in_dim3A_579 = arith.constant 0 : i32
        %broadcast_in_dim3A_580 = vector.broadcast %broadcast_in_dim3A_579 : i32 to vector<16xi32>
        %add3A_581 = arith.constant 8 : i32
        %add3A_582 = vector.broadcast %add3A_581 : i32 to vector<16xi32>
        %add3A_583 = arith.addi %broadcast_in_dim3A_580, %add3A_582 : vector<16xi32>
        %sub3A_584 = arith.constant 1 : i32
        %sub3A_585 = vector.broadcast %sub3A_584 : i32 to vector<16xi32>
        %sub3A_586 = arith.subi %add3A_583, %sub3A_585 : vector<16xi32>
        %gather3A_587 = tpu.vector_load_idx %arg7[%broadcast_in_dim3A_570, %add3A_28, %sub3A_586] : memref<3x256x16xf32, #tpu.memory_space<vmem>>[vector<16xi32>, vector<16xi32>, vector<16xi32>], vector<16xf32>,
        %lt3A_588 = arith.cmpf olt, %gather3A_587, %get3A_578 : vector<16xf32>
        %select_n3A_589 = arith.select %lt3A_588, %add3A_583, %broadcast_in_dim3A_580 : vector<16xi1>, vector<16xi32>
        %add3A_590 = arith.constant 4 : i32
        %add3A_591 = vector.broadcast %add3A_590 : i32 to vector<16xi32>
        %add3A_592 = arith.addi %select_n3A_589, %add3A_591 : vector<16xi32>
        %sub3A_593 = arith.constant 1 : i32
        %sub3A_594 = vector.broadcast %sub3A_593 : i32 to vector<16xi32>
        %sub3A_595 = arith.subi %add3A_592, %sub3A_594 : vector<16xi32>
        %gather3A_596 = tpu.vector_load_idx %arg7[%broadcast_in_dim3A_570, %add3A_28, %sub3A_595] : memref<3x256x16xf32, #tpu.memory_space<vmem>>[vector<16xi32>, vector<16xi32>, vector<16xi32>], vector<16xf32>,
        %lt3A_597 = arith.cmpf olt, %gather3A_596, %get3A_578 : vector<16xf32>
        %select_n3A_598 = arith.select %lt3A_597, %add3A_592, %select_n3A_589 : vector<16xi1>, vector<16xi32>
        %add3A_599 = arith.constant 2 : i32
        %add3A_600 = vector.broadcast %add3A_599 : i32 to vector<16xi32>
        %add3A_601 = arith.addi %select_n3A_598, %add3A_600 : vector<16xi32>
        %sub3A_602 = arith.constant 1 : i32
        %sub3A_603 = vector.broadcast %sub3A_602 : i32 to vector<16xi32>
        %sub3A_604 = arith.subi %add3A_601, %sub3A_603 : vector<16xi32>
        %gather3A_605 = tpu.vector_load_idx %arg7[%broadcast_in_dim3A_570, %add3A_28, %sub3A_604] : memref<3x256x16xf32, #tpu.memory_space<vmem>>[vector<16xi32>, vector<16xi32>, vector<16xi32>], vector<16xf32>,
        %lt3A_606 = arith.cmpf olt, %gather3A_605, %get3A_578 : vector<16xf32>
        %select_n3A_607 = arith.select %lt3A_606, %add3A_601, %select_n3A_598 : vector<16xi1>, vector<16xi32>
        %add3A_608 = arith.constant 1 : i32
        %add3A_609 = vector.broadcast %add3A_608 : i32 to vector<16xi32>
        %add3A_610 = arith.addi %select_n3A_607, %add3A_609 : vector<16xi32>
        %sub3A_611 = arith.constant 1 : i32
        %sub3A_612 = vector.broadcast %sub3A_611 : i32 to vector<16xi32>
        %sub3A_613 = arith.subi %add3A_610, %sub3A_612 : vector<16xi32>
        %gather3A_614 = tpu.vector_load_idx %arg7[%broadcast_in_dim3A_570, %add3A_28, %sub3A_613] : memref<3x256x16xf32, #tpu.memory_space<vmem>>[vector<16xi32>, vector<16xi32>, vector<16xi32>], vector<16xf32>,
        %lt3A_615 = arith.cmpf olt, %gather3A_614, %get3A_578 : vector<16xf32>
        %select_n3A_616 = arith.select %lt3A_615, %add3A_610, %select_n3A_607 : vector<16xi1>, vector<16xi32>
        %max3A_617 = arith.constant 1 : i32
        %max3A_618 = vector.broadcast %max3A_617 : i32 to vector<16xi32>
        %max3A_619 = arith.maxsi %select_n3A_616, %max3A_618 : vector<16xi32>
        %sub3A_620 = arith.constant 1 : i32
        %sub3A_621 = vector.broadcast %sub3A_620 : i32 to vector<16xi32>
        %sub3A_622 = arith.subi %max3A_619, %sub3A_621 : vector<16xi32>
        %gather3A_623 = tpu.vector_load_idx %arg7[%broadcast_in_dim3A_570, %add3A_28, %sub3A_622] : memref<3x256x16xf32, #tpu.memory_space<vmem>>[vector<16xi32>, vector<16xi32>, vector<16xi32>], vector<16xf32>,
        %gather3A_624 = tpu.vector_load_idx %arg7[%broadcast_in_dim3A_570, %add3A_28, %max3A_619] : memref<3x256x16xf32, #tpu.memory_space<vmem>>[vector<16xi32>, vector<16xi32>, vector<16xi32>], vector<16xf32>,
        %sub3A_625 = arith.constant 1 : i32
        %sub3A_626 = vector.broadcast %sub3A_625 : i32 to vector<16xi32>
        %sub3A_627 = arith.subi %max3A_619, %sub3A_626 : vector<16xi32>
        %gather3A_628 = tpu.vector_load_idx %arg8[%broadcast_in_dim3A_570, %add3A_28, %sub3A_627] : memref<3x256x16xf32, #tpu.memory_space<vmem>>[vector<16xi32>, vector<16xi32>, vector<16xi32>], vector<16xf32>,
        %gather3A_629 = tpu.vector_load_idx %arg8[%broadcast_in_dim3A_570, %add3A_28, %max3A_619] : memref<3x256x16xf32, #tpu.memory_space<vmem>>[vector<16xi32>, vector<16xi32>, vector<16xi32>], vector<16xf32>,
        %sub3A_630 = arith.subf %get3A_578, %gather3A_623 : vector<16xf32>
        %sub3A_631 = arith.subf %gather3A_624, %gather3A_623 : vector<16xf32>
        %add3A_632 = arith.constant 9.99999993E-9 : f32
        %add3A_633 = vector.broadcast %add3A_632 : f32 to vector<16xf32>
        %add3A_634 = arith.addf %sub3A_631, %add3A_633 : vector<16xf32>
        %div3A_635 = arith.divf %sub3A_630, %add3A_634 : vector<16xf32>
        %sub3A_636 = arith.subf %gather3A_629, %gather3A_628 : vector<16xf32>
        %mul3A_637 = arith.mulf %div3A_635, %sub3A_636 : vector<16xf32>
        %add3A_638 = arith.addf %gather3A_628, %mul3A_637 : vector<16xf32>
        %mul3A_639 = arith.constant 16 : i32
        %mul3A_640 = arith.muli %add3A_24, %mul3A_639 : i32
        %get3A_641 = arith.constant 1 : i32
        %get3A_642 = arith.constant 2 : i32
        %get3A_643 = arith.index_cast %get3A_641 : i32 to index
        %get3A_644 = arith.index_cast %get3A_642 : i32 to index
        %get3A_645 = arith.index_cast %mul3A_640 : i32 to index
        %get3A_646 = tpu.vector_load %arg9[%get3A_643, %get3A_644, %get3A_645] {strides = array<i32>} : memref<4x3x256xf32, #tpu.memory_space<vmem>>, vector<16xf32>,
        %broadcast_in_dim3A_647 = arith.constant 0 : i32
        %broadcast_in_dim3A_648 = vector.broadcast %broadcast_in_dim3A_647 : i32 to vector<16xi32>
        %add3A_649 = arith.constant 8 : i32
        %add3A_650 = vector.broadcast %add3A_649 : i32 to vector<16xi32>
        %add3A_651 = arith.addi %broadcast_in_dim3A_648, %add3A_650 : vector<16xi32>
        %sub3A_652 = arith.constant 1 : i32
        %sub3A_653 = vector.broadcast %sub3A_652 : i32 to vector<16xi32>
        %sub3A_654 = arith.subi %add3A_651, %sub3A_653 : vector<16xi32>
        %gather3A_655 = tpu.vector_load_idx %arg7[%broadcast_in_dim3A_570, %add3A_28, %sub3A_654] : memref<3x256x16xf32, #tpu.memory_space<vmem>>[vector<16xi32>, vector<16xi32>, vector<16xi32>], vector<16xf32>,
        %lt3A_656 = arith.cmpf olt, %gather3A_655, %get3A_646 : vector<16xf32>
        %select_n3A_657 = arith.select %lt3A_656, %add3A_651, %broadcast_in_dim3A_648 : vector<16xi1>, vector<16xi32>
        %add3A_658 = arith.constant 4 : i32
        %add3A_659 = vector.broadcast %add3A_658 : i32 to vector<16xi32>
        %add3A_660 = arith.addi %select_n3A_657, %add3A_659 : vector<16xi32>
        %sub3A_661 = arith.constant 1 : i32
        %sub3A_662 = vector.broadcast %sub3A_661 : i32 to vector<16xi32>
        %sub3A_663 = arith.subi %add3A_660, %sub3A_662 : vector<16xi32>
        %gather3A_664 = tpu.vector_load_idx %arg7[%broadcast_in_dim3A_570, %add3A_28, %sub3A_663] : memref<3x256x16xf32, #tpu.memory_space<vmem>>[vector<16xi32>, vector<16xi32>, vector<16xi32>], vector<16xf32>,
        %lt3A_665 = arith.cmpf olt, %gather3A_664, %get3A_646 : vector<16xf32>
        %select_n3A_666 = arith.select %lt3A_665, %add3A_660, %select_n3A_657 : vector<16xi1>, vector<16xi32>
        %add3A_667 = arith.constant 2 : i32
        %add3A_668 = vector.broadcast %add3A_667 : i32 to vector<16xi32>
        %add3A_669 = arith.addi %select_n3A_666, %add3A_668 : vector<16xi32>
        %sub3A_670 = arith.constant 1 : i32
        %sub3A_671 = vector.broadcast %sub3A_670 : i32 to vector<16xi32>
        %sub3A_672 = arith.subi %add3A_669, %sub3A_671 : vector<16xi32>
        %gather3A_673 = tpu.vector_load_idx %arg7[%broadcast_in_dim3A_570, %add3A_28, %sub3A_672] : memref<3x256x16xf32, #tpu.memory_space<vmem>>[vector<16xi32>, vector<16xi32>, vector<16xi32>], vector<16xf32>,
        %lt3A_674 = arith.cmpf olt, %gather3A_673, %get3A_646 : vector<16xf32>
        %select_n3A_675 = arith.select %lt3A_674, %add3A_669, %select_n3A_666 : vector<16xi1>, vector<16xi32>
        %add3A_676 = arith.constant 1 : i32
        %add3A_677 = vector.broadcast %add3A_676 : i32 to vector<16xi32>
        %add3A_678 = arith.addi %select_n3A_675, %add3A_677 : vector<16xi32>
        %sub3A_679 = arith.constant 1 : i32
        %sub3A_680 = vector.broadcast %sub3A_679 : i32 to vector<16xi32>
        %sub3A_681 = arith.subi %add3A_678, %sub3A_680 : vector<16xi32>
        %gather3A_682 = tpu.vector_load_idx %arg7[%broadcast_in_dim3A_570, %add3A_28, %sub3A_681] : memref<3x256x16xf32, #tpu.memory_space<vmem>>[vector<16xi32>, vector<16xi32>, vector<16xi32>], vector<16xf32>,
        %lt3A_683 = arith.cmpf olt, %gather3A_682, %get3A_646 : vector<16xf32>
        %select_n3A_684 = arith.select %lt3A_683, %add3A_678, %select_n3A_675 : vector<16xi1>, vector<16xi32>
        %max3A_685 = arith.constant 1 : i32
        %max3A_686 = vector.broadcast %max3A_685 : i32 to vector<16xi32>
        %max3A_687 = arith.maxsi %select_n3A_684, %max3A_686 : vector<16xi32>
        %sub3A_688 = arith.constant 1 : i32
        %sub3A_689 = vector.broadcast %sub3A_688 : i32 to vector<16xi32>
        %sub3A_690 = arith.subi %max3A_687, %sub3A_689 : vector<16xi32>
        %gather3A_691 = tpu.vector_load_idx %arg7[%broadcast_in_dim3A_570, %add3A_28, %sub3A_690] : memref<3x256x16xf32, #tpu.memory_space<vmem>>[vector<16xi32>, vector<16xi32>, vector<16xi32>], vector<16xf32>,
        %gather3A_692 = tpu.vector_load_idx %arg7[%broadcast_in_dim3A_570, %add3A_28, %max3A_687] : memref<3x256x16xf32, #tpu.memory_space<vmem>>[vector<16xi32>, vector<16xi32>, vector<16xi32>], vector<16xf32>,
        %sub3A_693 = arith.constant 1 : i32
        %sub3A_694 = vector.broadcast %sub3A_693 : i32 to vector<16xi32>
        %sub3A_695 = arith.subi %max3A_687, %sub3A_694 : vector<16xi32>
        %gather3A_696 = tpu.vector_load_idx %arg8[%broadcast_in_dim3A_570, %add3A_28, %sub3A_695] : memref<3x256x16xf32, #tpu.memory_space<vmem>>[vector<16xi32>, vector<16xi32>, vector<16xi32>], vector<16xf32>,
        %gather3A_697 = tpu.vector_load_idx %arg8[%broadcast_in_dim3A_570, %add3A_28, %max3A_687] : memref<3x256x16xf32, #tpu.memory_space<vmem>>[vector<16xi32>, vector<16xi32>, vector<16xi32>], vector<16xf32>,
        %sub3A_698 = arith.subf %get3A_646, %gather3A_691 : vector<16xf32>
        %sub3A_699 = arith.subf %gather3A_692, %gather3A_691 : vector<16xf32>
        %add3A_700 = arith.constant 9.99999993E-9 : f32
        %add3A_701 = vector.broadcast %add3A_700 : f32 to vector<16xf32>
        %add3A_702 = arith.addf %sub3A_699, %add3A_701 : vector<16xf32>
        %div3A_703 = arith.divf %sub3A_698, %add3A_702 : vector<16xf32>
        %sub3A_704 = arith.subf %gather3A_697, %gather3A_696 : vector<16xf32>
        %mul3A_705 = arith.mulf %div3A_703, %sub3A_704 : vector<16xf32>
        %add3A_706 = arith.addf %gather3A_696, %mul3A_705 : vector<16xf32>
        %mul3A_707 = arith.constant 16 : i32
        %mul3A_708 = arith.muli %add3A_24, %mul3A_707 : i32
        %get3A_709 = arith.constant 2 : i32
        %get3A_710 = arith.constant 2 : i32
        %get3A_711 = arith.index_cast %get3A_709 : i32 to index
        %get3A_712 = arith.index_cast %get3A_710 : i32 to index
        %get3A_713 = arith.index_cast %mul3A_708 : i32 to index
        %get3A_714 = tpu.vector_load %arg9[%get3A_711, %get3A_712, %get3A_713] {strides = array<i32>} : memref<4x3x256xf32, #tpu.memory_space<vmem>>, vector<16xf32>,
        %broadcast_in_dim3A_715 = arith.constant 0 : i32
        %broadcast_in_dim3A_716 = vector.broadcast %broadcast_in_dim3A_715 : i32 to vector<16xi32>
        %add3A_717 = arith.constant 8 : i32
        %add3A_718 = vector.broadcast %add3A_717 : i32 to vector<16xi32>
        %add3A_719 = arith.addi %broadcast_in_dim3A_716, %add3A_718 : vector<16xi32>
        %sub3A_720 = arith.constant 1 : i32
        %sub3A_721 = vector.broadcast %sub3A_720 : i32 to vector<16xi32>
        %sub3A_722 = arith.subi %add3A_719, %sub3A_721 : vector<16xi32>
        %gather3A_723 = tpu.vector_load_idx %arg7[%broadcast_in_dim3A_570, %add3A_28, %sub3A_722] : memref<3x256x16xf32, #tpu.memory_space<vmem>>[vector<16xi32>, vector<16xi32>, vector<16xi32>], vector<16xf32>,
        %lt3A_724 = arith.cmpf olt, %gather3A_723, %get3A_714 : vector<16xf32>
        %select_n3A_725 = arith.select %lt3A_724, %add3A_719, %broadcast_in_dim3A_716 : vector<16xi1>, vector<16xi32>
        %add3A_726 = arith.constant 4 : i32
        %add3A_727 = vector.broadcast %add3A_726 : i32 to vector<16xi32>
        %add3A_728 = arith.addi %select_n3A_725, %add3A_727 : vector<16xi32>
        %sub3A_729 = arith.constant 1 : i32
        %sub3A_730 = vector.broadcast %sub3A_729 : i32 to vector<16xi32>
        %sub3A_731 = arith.subi %add3A_728, %sub3A_730 : vector<16xi32>
        %gather3A_732 = tpu.vector_load_idx %arg7[%broadcast_in_dim3A_570, %add3A_28, %sub3A_731] : memref<3x256x16xf32, #tpu.memory_space<vmem>>[vector<16xi32>, vector<16xi32>, vector<16xi32>], vector<16xf32>,
        %lt3A_733 = arith.cmpf olt, %gather3A_732, %get3A_714 : vector<16xf32>
        %select_n3A_734 = arith.select %lt3A_733, %add3A_728, %select_n3A_725 : vector<16xi1>, vector<16xi32>
        %add3A_735 = arith.constant 2 : i32
        %add3A_736 = vector.broadcast %add3A_735 : i32 to vector<16xi32>
        %add3A_737 = arith.addi %select_n3A_734, %add3A_736 : vector<16xi32>
        %sub3A_738 = arith.constant 1 : i32
        %sub3A_739 = vector.broadcast %sub3A_738 : i32 to vector<16xi32>
        %sub3A_740 = arith.subi %add3A_737, %sub3A_739 : vector<16xi32>
        %gather3A_741 = tpu.vector_load_idx %arg7[%broadcast_in_dim3A_570, %add3A_28, %sub3A_740] : memref<3x256x16xf32, #tpu.memory_space<vmem>>[vector<16xi32>, vector<16xi32>, vector<16xi32>], vector<16xf32>,
        %lt3A_742 = arith.cmpf olt, %gather3A_741, %get3A_714 : vector<16xf32>
        %select_n3A_743 = arith.select %lt3A_742, %add3A_737, %select_n3A_734 : vector<16xi1>, vector<16xi32>
        %add3A_744 = arith.constant 1 : i32
        %add3A_745 = vector.broadcast %add3A_744 : i32 to vector<16xi32>
        %add3A_746 = arith.addi %select_n3A_743, %add3A_745 : vector<16xi32>
        %sub3A_747 = arith.constant 1 : i32
        %sub3A_748 = vector.broadcast %sub3A_747 : i32 to vector<16xi32>
        %sub3A_749 = arith.subi %add3A_746, %sub3A_748 : vector<16xi32>
        %gather3A_750 = tpu.vector_load_idx %arg7[%broadcast_in_dim3A_570, %add3A_28, %sub3A_749] : memref<3x256x16xf32, #tpu.memory_space<vmem>>[vector<16xi32>, vector<16xi32>, vector<16xi32>], vector<16xf32>,
        %lt3A_751 = arith.cmpf olt, %gather3A_750, %get3A_714 : vector<16xf32>
        %select_n3A_752 = arith.select %lt3A_751, %add3A_746, %select_n3A_743 : vector<16xi1>, vector<16xi32>
        %max3A_753 = arith.constant 1 : i32
        %max3A_754 = vector.broadcast %max3A_753 : i32 to vector<16xi32>
        %max3A_755 = arith.maxsi %select_n3A_752, %max3A_754 : vector<16xi32>
        %sub3A_756 = arith.constant 1 : i32
        %sub3A_757 = vector.broadcast %sub3A_756 : i32 to vector<16xi32>
        %sub3A_758 = arith.subi %max3A_755, %sub3A_757 : vector<16xi32>
        %gather3A_759 = tpu.vector_load_idx %arg7[%broadcast_in_dim3A_570, %add3A_28, %sub3A_758] : memref<3x256x16xf32, #tpu.memory_space<vmem>>[vector<16xi32>, vector<16xi32>, vector<16xi32>], vector<16xf32>,
        %gather3A_760 = tpu.vector_load_idx %arg7[%broadcast_in_dim3A_570, %add3A_28, %max3A_755] : memref<3x256x16xf32, #tpu.memory_space<vmem>>[vector<16xi32>, vector<16xi32>, vector<16xi32>], vector<16xf32>,
        %sub3A_761 = arith.constant 1 : i32
        %sub3A_762 = vector.broadcast %sub3A_761 : i32 to vector<16xi32>
        %sub3A_763 = arith.subi %max3A_755, %sub3A_762 : vector<16xi32>
        %gather3A_764 = tpu.vector_load_idx %arg8[%broadcast_in_dim3A_570, %add3A_28, %sub3A_763] : memref<3x256x16xf32, #tpu.memory_space<vmem>>[vector<16xi32>, vector<16xi32>, vector<16xi32>], vector<16xf32>,
        %gather3A_765 = tpu.vector_load_idx %arg8[%broadcast_in_dim3A_570, %add3A_28, %max3A_755] : memref<3x256x16xf32, #tpu.memory_space<vmem>>[vector<16xi32>, vector<16xi32>, vector<16xi32>], vector<16xf32>,
        %sub3A_766 = arith.subf %get3A_714, %gather3A_759 : vector<16xf32>
        %sub3A_767 = arith.subf %gather3A_760, %gather3A_759 : vector<16xf32>
        %add3A_768 = arith.constant 9.99999993E-9 : f32
        %add3A_769 = vector.broadcast %add3A_768 : f32 to vector<16xf32>
        %add3A_770 = arith.addf %sub3A_767, %add3A_769 : vector<16xf32>
        %div3A_771 = arith.divf %sub3A_766, %add3A_770 : vector<16xf32>
        %sub3A_772 = arith.subf %gather3A_765, %gather3A_764 : vector<16xf32>
        %mul3A_773 = arith.mulf %div3A_771, %sub3A_772 : vector<16xf32>
        %add3A_774 = arith.addf %gather3A_764, %mul3A_773 : vector<16xf32>
        %mul3A_775 = arith.constant 16 : i32
        %mul3A_776 = arith.muli %add3A_24, %mul3A_775 : i32
        %get3A_777 = arith.constant 3 : i32
        %get3A_778 = arith.constant 2 : i32
        %get3A_779 = arith.index_cast %get3A_777 : i32 to index
        %get3A_780 = arith.index_cast %get3A_778 : i32 to index
        %get3A_781 = arith.index_cast %mul3A_776 : i32 to index
        %get3A_782 = tpu.vector_load %arg9[%get3A_779, %get3A_780, %get3A_781] {strides = array<i32>} : memref<4x3x256xf32, #tpu.memory_space<vmem>>, vector<16xf32>,
        %broadcast_in_dim3A_783 = arith.constant 0 : i32
        %broadcast_in_dim3A_784 = vector.broadcast %broadcast_in_dim3A_783 : i32 to vector<16xi32>
        %add3A_785 = arith.constant 8 : i32
        %add3A_786 = vector.broadcast %add3A_785 : i32 to vector<16xi32>
        %add3A_787 = arith.addi %broadcast_in_dim3A_784, %add3A_786 : vector<16xi32>
        %sub3A_788 = arith.constant 1 : i32
        %sub3A_789 = vector.broadcast %sub3A_788 : i32 to vector<16xi32>
        %sub3A_790 = arith.subi %add3A_787, %sub3A_789 : vector<16xi32>
        %gather3A_791 = tpu.vector_load_idx %arg7[%broadcast_in_dim3A_570, %add3A_28, %sub3A_790] : memref<3x256x16xf32, #tpu.memory_space<vmem>>[vector<16xi32>, vector<16xi32>, vector<16xi32>], vector<16xf32>,
        %lt3A_792 = arith.cmpf olt, %gather3A_791, %get3A_782 : vector<16xf32>
        %select_n3A_793 = arith.select %lt3A_792, %add3A_787, %broadcast_in_dim3A_784 : vector<16xi1>, vector<16xi32>
        %add3A_794 = arith.constant 4 : i32
        %add3A_795 = vector.broadcast %add3A_794 : i32 to vector<16xi32>
        %add3A_796 = arith.addi %select_n3A_793, %add3A_795 : vector<16xi32>
        %sub3A_797 = arith.constant 1 : i32
        %sub3A_798 = vector.broadcast %sub3A_797 : i32 to vector<16xi32>
        %sub3A_799 = arith.subi %add3A_796, %sub3A_798 : vector<16xi32>
        %gather3A_800 = tpu.vector_load_idx %arg7[%broadcast_in_dim3A_570, %add3A_28, %sub3A_799] : memref<3x256x16xf32, #tpu.memory_space<vmem>>[vector<16xi32>, vector<16xi32>, vector<16xi32>], vector<16xf32>,
        %lt3A_801 = arith.cmpf olt, %gather3A_800, %get3A_782 : vector<16xf32>
        %select_n3A_802 = arith.select %lt3A_801, %add3A_796, %select_n3A_793 : vector<16xi1>, vector<16xi32>
        %add3A_803 = arith.constant 2 : i32
        %add3A_804 = vector.broadcast %add3A_803 : i32 to vector<16xi32>
        %add3A_805 = arith.addi %select_n3A_802, %add3A_804 : vector<16xi32>
        %sub3A_806 = arith.constant 1 : i32
        %sub3A_807 = vector.broadcast %sub3A_806 : i32 to vector<16xi32>
        %sub3A_808 = arith.subi %add3A_805, %sub3A_807 : vector<16xi32>
        %gather3A_809 = tpu.vector_load_idx %arg7[%broadcast_in_dim3A_570, %add3A_28, %sub3A_808] : memref<3x256x16xf32, #tpu.memory_space<vmem>>[vector<16xi32>, vector<16xi32>, vector<16xi32>], vector<16xf32>,
        %lt3A_810 = arith.cmpf olt, %gather3A_809, %get3A_782 : vector<16xf32>
        %select_n3A_811 = arith.select %lt3A_810, %add3A_805, %select_n3A_802 : vector<16xi1>, vector<16xi32>
        %add3A_812 = arith.constant 1 : i32
        %add3A_813 = vector.broadcast %add3A_812 : i32 to vector<16xi32>
        %add3A_814 = arith.addi %select_n3A_811, %add3A_813 : vector<16xi32>
        %sub3A_815 = arith.constant 1 : i32
        %sub3A_816 = vector.broadcast %sub3A_815 : i32 to vector<16xi32>
        %sub3A_817 = arith.subi %add3A_814, %sub3A_816 : vector<16xi32>
        %gather3A_818 = tpu.vector_load_idx %arg7[%broadcast_in_dim3A_570, %add3A_28, %sub3A_817] : memref<3x256x16xf32, #tpu.memory_space<vmem>>[vector<16xi32>, vector<16xi32>, vector<16xi32>], vector<16xf32>,
        %lt3A_819 = arith.cmpf olt, %gather3A_818, %get3A_782 : vector<16xf32>
        %select_n3A_820 = arith.select %lt3A_819, %add3A_814, %select_n3A_811 : vector<16xi1>, vector<16xi32>
        %max3A_821 = arith.constant 1 : i32
        %max3A_822 = vector.broadcast %max3A_821 : i32 to vector<16xi32>
        %max3A_823 = arith.maxsi %select_n3A_820, %max3A_822 : vector<16xi32>
        %sub3A_824 = arith.constant 1 : i32
        %sub3A_825 = vector.broadcast %sub3A_824 : i32 to vector<16xi32>
        %sub3A_826 = arith.subi %max3A_823, %sub3A_825 : vector<16xi32>
        %gather3A_827 = tpu.vector_load_idx %arg7[%broadcast_in_dim3A_570, %add3A_28, %sub3A_826] : memref<3x256x16xf32, #tpu.memory_space<vmem>>[vector<16xi32>, vector<16xi32>, vector<16xi32>], vector<16xf32>,
        %gather3A_828 = tpu.vector_load_idx %arg7[%broadcast_in_dim3A_570, %add3A_28, %max3A_823] : memref<3x256x16xf32, #tpu.memory_space<vmem>>[vector<16xi32>, vector<16xi32>, vector<16xi32>], vector<16xf32>,
        %sub3A_829 = arith.constant 1 : i32
        %sub3A_830 = vector.broadcast %sub3A_829 : i32 to vector<16xi32>
        %sub3A_831 = arith.subi %max3A_823, %sub3A_830 : vector<16xi32>
        %gather3A_832 = tpu.vector_load_idx %arg8[%broadcast_in_dim3A_570, %add3A_28, %sub3A_831] : memref<3x256x16xf32, #tpu.memory_space<vmem>>[vector<16xi32>, vector<16xi32>, vector<16xi32>], vector<16xf32>,
        %gather3A_833 = tpu.vector_load_idx %arg8[%broadcast_in_dim3A_570, %add3A_28, %max3A_823] : memref<3x256x16xf32, #tpu.memory_space<vmem>>[vector<16xi32>, vector<16xi32>, vector<16xi32>], vector<16xf32>,
        %sub3A_834 = arith.subf %get3A_782, %gather3A_827 : vector<16xf32>
        %sub3A_835 = arith.subf %gather3A_828, %gather3A_827 : vector<16xf32>
        %add3A_836 = arith.constant 9.99999993E-9 : f32
        %add3A_837 = vector.broadcast %add3A_836 : f32 to vector<16xf32>
        %add3A_838 = arith.addf %sub3A_835, %add3A_837 : vector<16xf32>
        %div3A_839 = arith.divf %sub3A_834, %add3A_838 : vector<16xf32>
        %sub3A_840 = arith.subf %gather3A_833, %gather3A_832 : vector<16xf32>
        %mul3A_841 = arith.mulf %div3A_839, %sub3A_840 : vector<16xf32>
        %add3A_842 = arith.addf %gather3A_832, %mul3A_841 : vector<16xf32>
        %broadcast_in_dim3A_843 = arith.constant 0.000000e+00 : f32
        %broadcast_in_dim3A_844 = vector.broadcast %broadcast_in_dim3A_843 : f32 to vector<16xf32>
        %broadcast_in_dim3A_845 = arith.constant 0.000000e+00 : f32
        %broadcast_in_dim3A_846 = vector.broadcast %broadcast_in_dim3A_845 : f32 to vector<16xf32>
        %broadcast_in_dim3A_847 = arith.constant 0.000000e+00 : f32
        %broadcast_in_dim3A_848 = vector.broadcast %broadcast_in_dim3A_847 : f32 to vector<16xf32>
        %broadcast_in_dim3A_849 = arith.constant 0.000000e+00 : f32
        %broadcast_in_dim3A_850 = vector.broadcast %broadcast_in_dim3A_849 : f32 to vector<16xf32>
        %broadcast_in_dim3A_851 = arith.constant 0 : i32
        %broadcast_in_dim3A_852 = vector.broadcast %broadcast_in_dim3A_851 : i32 to vector<16xi32>
        %gather3A_853 = tpu.vector_load_idx %arg10[%add3A_28, %broadcast_in_dim3A_852] : memref<256x9xf32, #tpu.memory_space<vmem>>[vector<16xi32>, vector<16xi32>], vector<16xf32>,
        %mul3A_854 = arith.mulf %add3A_90, %gather3A_853 : vector<16xf32>
        %add3A_855 = arith.addf %broadcast_in_dim3A_844, %mul3A_854 : vector<16xf32>
        %mul3A_856 = arith.mulf %add3A_158, %gather3A_853 : vector<16xf32>
        %add3A_857 = arith.addf %broadcast_in_dim3A_846, %mul3A_856 : vector<16xf32>
        %mul3A_858 = arith.mulf %add3A_226, %gather3A_853 : vector<16xf32>
        %add3A_859 = arith.addf %broadcast_in_dim3A_848, %mul3A_858 : vector<16xf32>
        %mul3A_860 = arith.mulf %add3A_294, %gather3A_853 : vector<16xf32>
        %add3A_861 = arith.addf %broadcast_in_dim3A_850, %mul3A_860 : vector<16xf32>
        %broadcast_in_dim3A_862 = arith.constant 3 : i32
        %broadcast_in_dim3A_863 = vector.broadcast %broadcast_in_dim3A_862 : i32 to vector<16xi32>
        %gather3A_864 = tpu.vector_load_idx %arg10[%add3A_28, %broadcast_in_dim3A_863] : memref<256x9xf32, #tpu.memory_space<vmem>>[vector<16xi32>, vector<16xi32>], vector<16xf32>,
        %mul3A_865 = arith.mulf %add3A_364, %gather3A_864 : vector<16xf32>
        %add3A_866 = arith.addf %add3A_855, %mul3A_865 : vector<16xf32>
        %mul3A_867 = arith.mulf %add3A_432, %gather3A_864 : vector<16xf32>
        %add3A_868 = arith.addf %add3A_857, %mul3A_867 : vector<16xf32>
        %mul3A_869 = arith.mulf %add3A_500, %gather3A_864 : vector<16xf32>
        %add3A_870 = arith.addf %add3A_859, %mul3A_869 : vector<16xf32>
        %mul3A_871 = arith.mulf %add3A_568, %gather3A_864 : vector<16xf32>
        %add3A_872 = arith.addf %add3A_861, %mul3A_871 : vector<16xf32>
        %broadcast_in_dim3A_873 = arith.constant 6 : i32
        %broadcast_in_dim3A_874 = vector.broadcast %broadcast_in_dim3A_873 : i32 to vector<16xi32>
        %gather3A_875 = tpu.vector_load_idx %arg10[%add3A_28, %broadcast_in_dim3A_874] : memref<256x9xf32, #tpu.memory_space<vmem>>[vector<16xi32>, vector<16xi32>], vector<16xf32>,
        %mul3A_876 = arith.mulf %add3A_638, %gather3A_875 : vector<16xf32>
        %add3A_877 = arith.addf %add3A_866, %mul3A_876 : vector<16xf32>
        %mul3A_878 = arith.mulf %add3A_706, %gather3A_875 : vector<16xf32>
        %add3A_879 = arith.addf %add3A_868, %mul3A_878 : vector<16xf32>
        %mul3A_880 = arith.mulf %add3A_774, %gather3A_875 : vector<16xf32>
        %add3A_881 = arith.addf %add3A_870, %mul3A_880 : vector<16xf32>
        %mul3A_882 = arith.mulf %add3A_842, %gather3A_875 : vector<16xf32>
        %add3A_883 = arith.addf %add3A_872, %mul3A_882 : vector<16xf32>
        %jit3A = arith.constant 0.000000e+00 : f32
        %jit3A_884 = arith.constant 1.000000e+00 : f32
        %max3A_885 = vector.broadcast %jit3A : f32 to vector<16xf32>
        %max3A_886 = arith.maximumf %max3A_885, %add3A_877 : vector<16xf32>
        %min3A = vector.broadcast %jit3A_884 : f32 to vector<16xf32>
        %min3A_887 = arith.minimumf %min3A, %max3A_886 : vector<16xf32>
        %mul3A_888 = arith.constant 16 : i32
        %mul3A_889 = arith.muli %add3A_24, %mul3A_888 : i32
        %swap3A = arith.constant 0 : i32
        %swap3A_890 = arith.constant 0 : i32
        %swap3A_891 = arith.index_cast %swap3A : i32 to index
        %swap3A_892 = arith.index_cast %swap3A_890 : i32 to index
        %swap3A_893 = arith.index_cast %mul3A_889 : i32 to index
        %swap3A_894 = tpu.vector_load %arg11[%swap3A_891, %swap3A_892, %swap3A_893] {strides = array<i32>} : memref<4x3x256xf32, #tpu.memory_space<vmem>>, vector<16xf32>,
        tpu.vector_store %arg11[%swap3A_891, %swap3A_892, %swap3A_893], %min3A_887 {strides = array<i32>} : memref<4x3x256xf32, #tpu.memory_space<vmem>>, vector<16xf32>,
        %jit3A_895 = arith.constant 0.000000e+00 : f32
        %jit3A_896 = arith.constant 1.000000e+00 : f32
        %max3A_897 = vector.broadcast %jit3A_895 : f32 to vector<16xf32>
        %max3A_898 = arith.maximumf %max3A_897, %add3A_879 : vector<16xf32>
        %min3A_899 = vector.broadcast %jit3A_896 : f32 to vector<16xf32>
        %min3A_900 = arith.minimumf %min3A_899, %max3A_898 : vector<16xf32>
        %mul3A_901 = arith.constant 16 : i32
        %mul3A_902 = arith.muli %add3A_24, %mul3A_901 : i32
        %swap3A_903 = arith.constant 1 : i32
        %swap3A_904 = arith.constant 0 : i32
        %swap3A_905 = arith.index_cast %swap3A_903 : i32 to index
        %swap3A_906 = arith.index_cast %swap3A_904 : i32 to index
        %swap3A_907 = arith.index_cast %mul3A_902 : i32 to index
        %swap3A_908 = tpu.vector_load %arg11[%swap3A_905, %swap3A_906, %swap3A_907] {strides = array<i32>} : memref<4x3x256xf32, #tpu.memory_space<vmem>>, vector<16xf32>,
        tpu.vector_store %arg11[%swap3A_905, %swap3A_906, %swap3A_907], %min3A_900 {strides = array<i32>} : memref<4x3x256xf32, #tpu.memory_space<vmem>>, vector<16xf32>,
        %jit3A_909 = arith.constant 0.000000e+00 : f32
        %jit3A_910 = arith.constant 1.000000e+00 : f32
        %max3A_911 = vector.broadcast %jit3A_909 : f32 to vector<16xf32>
        %max3A_912 = arith.maximumf %max3A_911, %add3A_881 : vector<16xf32>
        %min3A_913 = vector.broadcast %jit3A_910 : f32 to vector<16xf32>
        %min3A_914 = arith.minimumf %min3A_913, %max3A_912 : vector<16xf32>
        %mul3A_915 = arith.constant 16 : i32
        %mul3A_916 = arith.muli %add3A_24, %mul3A_915 : i32
        %swap3A_917 = arith.constant 2 : i32
        %swap3A_918 = arith.constant 0 : i32
        %swap3A_919 = arith.index_cast %swap3A_917 : i32 to index
        %swap3A_920 = arith.index_cast %swap3A_918 : i32 to index
        %swap3A_921 = arith.index_cast %mul3A_916 : i32 to index
        %swap3A_922 = tpu.vector_load %arg11[%swap3A_919, %swap3A_920, %swap3A_921] {strides = array<i32>} : memref<4x3x256xf32, #tpu.memory_space<vmem>>, vector<16xf32>,
        tpu.vector_store %arg11[%swap3A_919, %swap3A_920, %swap3A_921], %min3A_914 {strides = array<i32>} : memref<4x3x256xf32, #tpu.memory_space<vmem>>, vector<16xf32>,
        %jit3A_923 = arith.constant 0.000000e+00 : f32
        %jit3A_924 = arith.constant 1.000000e+00 : f32
        %max3A_925 = vector.broadcast %jit3A_923 : f32 to vector<16xf32>
        %max3A_926 = arith.maximumf %max3A_925, %add3A_883 : vector<16xf32>
        %min3A_927 = vector.broadcast %jit3A_924 : f32 to vector<16xf32>
        %min3A_928 = arith.minimumf %min3A_927, %max3A_926 : vector<16xf32>
        %mul3A_929 = arith.constant 16 : i32
        %mul3A_930 = arith.muli %add3A_24, %mul3A_929 : i32
        %swap3A_931 = arith.constant 3 : i32
        %swap3A_932 = arith.constant 0 : i32
        %swap3A_933 = arith.index_cast %swap3A_931 : i32 to index
        %swap3A_934 = arith.index_cast %swap3A_932 : i32 to index
        %swap3A_935 = arith.index_cast %mul3A_930 : i32 to index
        %swap3A_936 = tpu.vector_load %arg11[%swap3A_933, %swap3A_934, %swap3A_935] {strides = array<i32>} : memref<4x3x256xf32, #tpu.memory_space<vmem>>, vector<16xf32>,
        tpu.vector_store %arg11[%swap3A_933, %swap3A_934, %swap3A_935], %min3A_928 {strides = array<i32>} : memref<4x3x256xf32, #tpu.memory_space<vmem>>, vector<16xf32>,
        %broadcast_in_dim3A_937 = arith.constant 0.000000e+00 : f32
        %broadcast_in_dim3A_938 = vector.broadcast %broadcast_in_dim3A_937 : f32 to vector<16xf32>
        %broadcast_in_dim3A_939 = arith.constant 0.000000e+00 : f32
        %broadcast_in_dim3A_940 = vector.broadcast %broadcast_in_dim3A_939 : f32 to vector<16xf32>
        %broadcast_in_dim3A_941 = arith.constant 0.000000e+00 : f32
        %broadcast_in_dim3A_942 = vector.broadcast %broadcast_in_dim3A_941 : f32 to vector<16xf32>
        %broadcast_in_dim3A_943 = arith.constant 0.000000e+00 : f32
        %broadcast_in_dim3A_944 = vector.broadcast %broadcast_in_dim3A_943 : f32 to vector<16xf32>
        %broadcast_in_dim3A_945 = arith.constant 1 : i32
        %broadcast_in_dim3A_946 = vector.broadcast %broadcast_in_dim3A_945 : i32 to vector<16xi32>
        %gather3A_947 = tpu.vector_load_idx %arg10[%add3A_28, %broadcast_in_dim3A_946] : memref<256x9xf32, #tpu.memory_space<vmem>>[vector<16xi32>, vector<16xi32>], vector<16xf32>,
        %mul3A_948 = arith.mulf %add3A_90, %gather3A_947 : vector<16xf32>
        %add3A_949 = arith.addf %broadcast_in_dim3A_938, %mul3A_948 : vector<16xf32>
        %mul3A_950 = arith.mulf %add3A_158, %gather3A_947 : vector<16xf32>
        %add3A_951 = arith.addf %broadcast_in_dim3A_940, %mul3A_950 : vector<16xf32>
        %mul3A_952 = arith.mulf %add3A_226, %gather3A_947 : vector<16xf32>
        %add3A_953 = arith.addf %broadcast_in_dim3A_942, %mul3A_952 : vector<16xf32>
        %mul3A_954 = arith.mulf %add3A_294, %gather3A_947 : vector<16xf32>
        %add3A_955 = arith.addf %broadcast_in_dim3A_944, %mul3A_954 : vector<16xf32>
        %broadcast_in_dim3A_956 = arith.constant 4 : i32
        %broadcast_in_dim3A_957 = vector.broadcast %broadcast_in_dim3A_956 : i32 to vector<16xi32>
        %gather3A_958 = tpu.vector_load_idx %arg10[%add3A_28, %broadcast_in_dim3A_957] : memref<256x9xf32, #tpu.memory_space<vmem>>[vector<16xi32>, vector<16xi32>], vector<16xf32>,
        %mul3A_959 = arith.mulf %add3A_364, %gather3A_958 : vector<16xf32>
        %add3A_960 = arith.addf %add3A_949, %mul3A_959 : vector<16xf32>
        %mul3A_961 = arith.mulf %add3A_432, %gather3A_958 : vector<16xf32>
        %add3A_962 = arith.addf %add3A_951, %mul3A_961 : vector<16xf32>
        %mul3A_963 = arith.mulf %add3A_500, %gather3A_958 : vector<16xf32>
        %add3A_964 = arith.addf %add3A_953, %mul3A_963 : vector<16xf32>
        %mul3A_965 = arith.mulf %add3A_568, %gather3A_958 : vector<16xf32>
        %add3A_966 = arith.addf %add3A_955, %mul3A_965 : vector<16xf32>
        %broadcast_in_dim3A_967 = arith.constant 7 : i32
        %broadcast_in_dim3A_968 = vector.broadcast %broadcast_in_dim3A_967 : i32 to vector<16xi32>
        %gather3A_969 = tpu.vector_load_idx %arg10[%add3A_28, %broadcast_in_dim3A_968] : memref<256x9xf32, #tpu.memory_space<vmem>>[vector<16xi32>, vector<16xi32>], vector<16xf32>,
        %mul3A_970 = arith.mulf %add3A_638, %gather3A_969 : vector<16xf32>
        %add3A_971 = arith.addf %add3A_960, %mul3A_970 : vector<16xf32>
        %mul3A_972 = arith.mulf %add3A_706, %gather3A_969 : vector<16xf32>
        %add3A_973 = arith.addf %add3A_962, %mul3A_972 : vector<16xf32>
        %mul3A_974 = arith.mulf %add3A_774, %gather3A_969 : vector<16xf32>
        %add3A_975 = arith.addf %add3A_964, %mul3A_974 : vector<16xf32>
        %mul3A_976 = arith.mulf %add3A_842, %gather3A_969 : vector<16xf32>
        %add3A_977 = arith.addf %add3A_966, %mul3A_976 : vector<16xf32>
        %jit3A_978 = arith.constant 0.000000e+00 : f32
        %jit3A_979 = arith.constant 1.000000e+00 : f32
        %max3A_980 = vector.broadcast %jit3A_978 : f32 to vector<16xf32>
        %max3A_981 = arith.maximumf %max3A_980, %add3A_971 : vector<16xf32>
        %min3A_982 = vector.broadcast %jit3A_979 : f32 to vector<16xf32>
        %min3A_983 = arith.minimumf %min3A_982, %max3A_981 : vector<16xf32>
        %mul3A_984 = arith.constant 16 : i32
        %mul3A_985 = arith.muli %add3A_24, %mul3A_984 : i32
        %swap3A_986 = arith.constant 0 : i32
        %swap3A_987 = arith.constant 1 : i32
        %swap3A_988 = arith.index_cast %swap3A_986 : i32 to index
        %swap3A_989 = arith.index_cast %swap3A_987 : i32 to index
        %swap3A_990 = arith.index_cast %mul3A_985 : i32 to index
        %swap3A_991 = tpu.vector_load %arg11[%swap3A_988, %swap3A_989, %swap3A_990] {strides = array<i32>} : memref<4x3x256xf32, #tpu.memory_space<vmem>>, vector<16xf32>,
        tpu.vector_store %arg11[%swap3A_988, %swap3A_989, %swap3A_990], %min3A_983 {strides = array<i32>} : memref<4x3x256xf32, #tpu.memory_space<vmem>>, vector<16xf32>,
        %jit3A_992 = arith.constant 0.000000e+00 : f32
        %jit3A_993 = arith.constant 1.000000e+00 : f32
        %max3A_994 = vector.broadcast %jit3A_992 : f32 to vector<16xf32>
        %max3A_995 = arith.maximumf %max3A_994, %add3A_973 : vector<16xf32>
        %min3A_996 = vector.broadcast %jit3A_993 : f32 to vector<16xf32>
        %min3A_997 = arith.minimumf %min3A_996, %max3A_995 : vector<16xf32>
        %mul3A_998 = arith.constant 16 : i32
        %mul3A_999 = arith.muli %add3A_24, %mul3A_998 : i32
        %swap3A_1000 = arith.constant 1 : i32
        %swap3A_1001 = arith.constant 1 : i32
        %swap3A_1002 = arith.index_cast %swap3A_1000 : i32 to index
        %swap3A_1003 = arith.index_cast %swap3A_1001 : i32 to index
        %swap3A_1004 = arith.index_cast %mul3A_999 : i32 to index
        %swap3A_1005 = tpu.vector_load %arg11[%swap3A_1002, %swap3A_1003, %swap3A_1004] {strides = array<i32>} : memref<4x3x256xf32, #tpu.memory_space<vmem>>, vector<16xf32>,
        tpu.vector_store %arg11[%swap3A_1002, %swap3A_1003, %swap3A_1004], %min3A_997 {strides = array<i32>} : memref<4x3x256xf32, #tpu.memory_space<vmem>>, vector<16xf32>,
        %jit3A_1006 = arith.constant 0.000000e+00 : f32
        %jit3A_1007 = arith.constant 1.000000e+00 : f32
        %max3A_1008 = vector.broadcast %jit3A_1006 : f32 to vector<16xf32>
        %max3A_1009 = arith.maximumf %max3A_1008, %add3A_975 : vector<16xf32>
        %min3A_1010 = vector.broadcast %jit3A_1007 : f32 to vector<16xf32>
        %min3A_1011 = arith.minimumf %min3A_1010, %max3A_1009 : vector<16xf32>
        %mul3A_1012 = arith.constant 16 : i32
        %mul3A_1013 = arith.muli %add3A_24, %mul3A_1012 : i32
        %swap3A_1014 = arith.constant 2 : i32
        %swap3A_1015 = arith.constant 1 : i32
        %swap3A_1016 = arith.index_cast %swap3A_1014 : i32 to index
        %swap3A_1017 = arith.index_cast %swap3A_1015 : i32 to index
        %swap3A_1018 = arith.index_cast %mul3A_1013 : i32 to index
        %swap3A_1019 = tpu.vector_load %arg11[%swap3A_1016, %swap3A_1017, %swap3A_1018] {strides = array<i32>} : memref<4x3x256xf32, #tpu.memory_space<vmem>>, vector<16xf32>,
        tpu.vector_store %arg11[%swap3A_1016, %swap3A_1017, %swap3A_1018], %min3A_1011 {strides = array<i32>} : memref<4x3x256xf32, #tpu.memory_space<vmem>>, vector<16xf32>,
        %jit3A_1020 = arith.constant 0.000000e+00 : f32
        %jit3A_1021 = arith.constant 1.000000e+00 : f32
        %max3A_1022 = vector.broadcast %jit3A_1020 : f32 to vector<16xf32>
        %max3A_1023 = arith.maximumf %max3A_1022, %add3A_977 : vector<16xf32>
        %min3A_1024 = vector.broadcast %jit3A_1021 : f32 to vector<16xf32>
        %min3A_1025 = arith.minimumf %min3A_1024, %max3A_1023 : vector<16xf32>
        %mul3A_1026 = arith.constant 16 : i32
        %mul3A_1027 = arith.muli %add3A_24, %mul3A_1026 : i32
        %swap3A_1028 = arith.constant 3 : i32
        %swap3A_1029 = arith.constant 1 : i32
        %swap3A_1030 = arith.index_cast %swap3A_1028 : i32 to index
        %swap3A_1031 = arith.index_cast %swap3A_1029 : i32 to index
        %swap3A_1032 = arith.index_cast %mul3A_1027 : i32 to index
        %swap3A_1033 = tpu.vector_load %arg11[%swap3A_1030, %swap3A_1031, %swap3A_1032] {strides = array<i32>} : memref<4x3x256xf32, #tpu.memory_space<vmem>>, vector<16xf32>,
        tpu.vector_store %arg11[%swap3A_1030, %swap3A_1031, %swap3A_1032], %min3A_1025 {strides = array<i32>} : memref<4x3x256xf32, #tpu.memory_space<vmem>>, vector<16xf32>,
        %broadcast_in_dim3A_1034 = arith.constant 0.000000e+00 : f32
        %broadcast_in_dim3A_1035 = vector.broadcast %broadcast_in_dim3A_1034 : f32 to vector<16xf32>
        %broadcast_in_dim3A_1036 = arith.constant 0.000000e+00 : f32
        %broadcast_in_dim3A_1037 = vector.broadcast %broadcast_in_dim3A_1036 : f32 to vector<16xf32>
        %broadcast_in_dim3A_1038 = arith.constant 0.000000e+00 : f32
        %broadcast_in_dim3A_1039 = vector.broadcast %broadcast_in_dim3A_1038 : f32 to vector<16xf32>
        %broadcast_in_dim3A_1040 = arith.constant 0.000000e+00 : f32
        %broadcast_in_dim3A_1041 = vector.broadcast %broadcast_in_dim3A_1040 : f32 to vector<16xf32>
        %broadcast_in_dim3A_1042 = arith.constant 2 : i32
        %broadcast_in_dim3A_1043 = vector.broadcast %broadcast_in_dim3A_1042 : i32 to vector<16xi32>
        %gather3A_1044 = tpu.vector_load_idx %arg10[%add3A_28, %broadcast_in_dim3A_1043] : memref<256x9xf32, #tpu.memory_space<vmem>>[vector<16xi32>, vector<16xi32>], vector<16xf32>,
        %mul3A_1045 = arith.mulf %add3A_90, %gather3A_1044 : vector<16xf32>
        %add3A_1046 = arith.addf %broadcast_in_dim3A_1035, %mul3A_1045 : vector<16xf32>
        %mul3A_1047 = arith.mulf %add3A_158, %gather3A_1044 : vector<16xf32>
        %add3A_1048 = arith.addf %broadcast_in_dim3A_1037, %mul3A_1047 : vector<16xf32>
        %mul3A_1049 = arith.mulf %add3A_226, %gather3A_1044 : vector<16xf32>
        %add3A_1050 = arith.addf %broadcast_in_dim3A_1039, %mul3A_1049 : vector<16xf32>
        %mul3A_1051 = arith.mulf %add3A_294, %gather3A_1044 : vector<16xf32>
        %add3A_1052 = arith.addf %broadcast_in_dim3A_1041, %mul3A_1051 : vector<16xf32>
        %broadcast_in_dim3A_1053 = arith.constant 5 : i32
        %broadcast_in_dim3A_1054 = vector.broadcast %broadcast_in_dim3A_1053 : i32 to vector<16xi32>
        %gather3A_1055 = tpu.vector_load_idx %arg10[%add3A_28, %broadcast_in_dim3A_1054] : memref<256x9xf32, #tpu.memory_space<vmem>>[vector<16xi32>, vector<16xi32>], vector<16xf32>,
        %mul3A_1056 = arith.mulf %add3A_364, %gather3A_1055 : vector<16xf32>
        %add3A_1057 = arith.addf %add3A_1046, %mul3A_1056 : vector<16xf32>
        %mul3A_1058 = arith.mulf %add3A_432, %gather3A_1055 : vector<16xf32>
        %add3A_1059 = arith.addf %add3A_1048, %mul3A_1058 : vector<16xf32>
        %mul3A_1060 = arith.mulf %add3A_500, %gather3A_1055 : vector<16xf32>
        %add3A_1061 = arith.addf %add3A_1050, %mul3A_1060 : vector<16xf32>
        %mul3A_1062 = arith.mulf %add3A_568, %gather3A_1055 : vector<16xf32>
        %add3A_1063 = arith.addf %add3A_1052, %mul3A_1062 : vector<16xf32>
        %broadcast_in_dim3A_1064 = arith.constant 8 : i32
        %broadcast_in_dim3A_1065 = vector.broadcast %broadcast_in_dim3A_1064 : i32 to vector<16xi32>
        %gather3A_1066 = tpu.vector_load_idx %arg10[%add3A_28, %broadcast_in_dim3A_1065] : memref<256x9xf32, #tpu.memory_space<vmem>>[vector<16xi32>, vector<16xi32>], vector<16xf32>,
        %mul3A_1067 = arith.mulf %add3A_638, %gather3A_1066 : vector<16xf32>
        %add3A_1068 = arith.addf %add3A_1057, %mul3A_1067 : vector<16xf32>
        %mul3A_1069 = arith.mulf %add3A_706, %gather3A_1066 : vector<16xf32>
        %add3A_1070 = arith.addf %add3A_1059, %mul3A_1069 : vector<16xf32>
        %mul3A_1071 = arith.mulf %add3A_774, %gather3A_1066 : vector<16xf32>
        %add3A_1072 = arith.addf %add3A_1061, %mul3A_1071 : vector<16xf32>
        %mul3A_1073 = arith.mulf %add3A_842, %gather3A_1066 : vector<16xf32>
        %add3A_1074 = arith.addf %add3A_1063, %mul3A_1073 : vector<16xf32>
        %jit3A_1075 = arith.constant 0.000000e+00 : f32
        %jit3A_1076 = arith.constant 1.000000e+00 : f32
        %max3A_1077 = vector.broadcast %jit3A_1075 : f32 to vector<16xf32>
        %max3A_1078 = arith.maximumf %max3A_1077, %add3A_1068 : vector<16xf32>
        %min3A_1079 = vector.broadcast %jit3A_1076 : f32 to vector<16xf32>
        %min3A_1080 = arith.minimumf %min3A_1079, %max3A_1078 : vector<16xf32>
        %mul3A_1081 = arith.constant 16 : i32
        %mul3A_1082 = arith.muli %add3A_24, %mul3A_1081 : i32
        %swap3A_1083 = arith.constant 0 : i32
        %swap3A_1084 = arith.constant 2 : i32
        %swap3A_1085 = arith.index_cast %swap3A_1083 : i32 to index
        %swap3A_1086 = arith.index_cast %swap3A_1084 : i32 to index
        %swap3A_1087 = arith.index_cast %mul3A_1082 : i32 to index
        %swap3A_1088 = tpu.vector_load %arg11[%swap3A_1085, %swap3A_1086, %swap3A_1087] {strides = array<i32>} : memref<4x3x256xf32, #tpu.memory_space<vmem>>, vector<16xf32>,
        tpu.vector_store %arg11[%swap3A_1085, %swap3A_1086, %swap3A_1087], %min3A_1080 {strides = array<i32>} : memref<4x3x256xf32, #tpu.memory_space<vmem>>, vector<16xf32>,
        %jit3A_1089 = arith.constant 0.000000e+00 : f32
        %jit3A_1090 = arith.constant 1.000000e+00 : f32
        %max3A_1091 = vector.broadcast %jit3A_1089 : f32 to vector<16xf32>
        %max3A_1092 = arith.maximumf %max3A_1091, %add3A_1070 : vector<16xf32>
        %min3A_1093 = vector.broadcast %jit3A_1090 : f32 to vector<16xf32>
        %min3A_1094 = arith.minimumf %min3A_1093, %max3A_1092 : vector<16xf32>
        %mul3A_1095 = arith.constant 16 : i32
        %mul3A_1096 = arith.muli %add3A_24, %mul3A_1095 : i32
        %swap3A_1097 = arith.constant 1 : i32
        %swap3A_1098 = arith.constant 2 : i32
        %swap3A_1099 = arith.index_cast %swap3A_1097 : i32 to index
        %swap3A_1100 = arith.index_cast %swap3A_1098 : i32 to index
        %swap3A_1101 = arith.index_cast %mul3A_1096 : i32 to index
        %swap3A_1102 = tpu.vector_load %arg11[%swap3A_1099, %swap3A_1100, %swap3A_1101] {strides = array<i32>} : memref<4x3x256xf32, #tpu.memory_space<vmem>>, vector<16xf32>,
        tpu.vector_store %arg11[%swap3A_1099, %swap3A_1100, %swap3A_1101], %min3A_1094 {strides = array<i32>} : memref<4x3x256xf32, #tpu.memory_space<vmem>>, vector<16xf32>,
        %jit3A_1103 = arith.constant 0.000000e+00 : f32
        %jit3A_1104 = arith.constant 1.000000e+00 : f32
        %max3A_1105 = vector.broadcast %jit3A_1103 : f32 to vector<16xf32>
        %max3A_1106 = arith.maximumf %max3A_1105, %add3A_1072 : vector<16xf32>
        %min3A_1107 = vector.broadcast %jit3A_1104 : f32 to vector<16xf32>
        %min3A_1108 = arith.minimumf %min3A_1107, %max3A_1106 : vector<16xf32>
        %mul3A_1109 = arith.constant 16 : i32
        %mul3A_1110 = arith.muli %add3A_24, %mul3A_1109 : i32
        %swap3A_1111 = arith.constant 2 : i32
        %swap3A_1112 = arith.constant 2 : i32
        %swap3A_1113 = arith.index_cast %swap3A_1111 : i32 to index
        %swap3A_1114 = arith.index_cast %swap3A_1112 : i32 to index
        %swap3A_1115 = arith.index_cast %mul3A_1110 : i32 to index
        %swap3A_1116 = tpu.vector_load %arg11[%swap3A_1113, %swap3A_1114, %swap3A_1115] {strides = array<i32>} : memref<4x3x256xf32, #tpu.memory_space<vmem>>, vector<16xf32>,
        tpu.vector_store %arg11[%swap3A_1113, %swap3A_1114, %swap3A_1115], %min3A_1108 {strides = array<i32>} : memref<4x3x256xf32, #tpu.memory_space<vmem>>, vector<16xf32>,
        %jit3A_1117 = arith.constant 0.000000e+00 : f32
        %jit3A_1118 = arith.constant 1.000000e+00 : f32
        %max3A_1119 = vector.broadcast %jit3A_1117 : f32 to vector<16xf32>
        %max3A_1120 = arith.maximumf %max3A_1119, %add3A_1074 : vector<16xf32>
        %min3A_1121 = vector.broadcast %jit3A_1118 : f32 to vector<16xf32>
        %min3A_1122 = arith.minimumf %min3A_1121, %max3A_1120 : vector<16xf32>
        %mul3A_1123 = arith.constant 16 : i32
        %mul3A_1124 = arith.muli %add3A_24, %mul3A_1123 : i32
        %swap3A_1125 = arith.constant 3 : i32
        %swap3A_1126 = arith.constant 2 : i32
        %swap3A_1127 = arith.index_cast %swap3A_1125 : i32 to index
        %swap3A_1128 = arith.index_cast %swap3A_1126 : i32 to index
        %swap3A_1129 = arith.index_cast %mul3A_1124 : i32 to index
        %swap3A_1130 = tpu.vector_load %arg11[%swap3A_1127, %swap3A_1128, %swap3A_1129] {strides = array<i32>} : memref<4x3x256xf32, #tpu.memory_space<vmem>>, vector<16xf32>,
        tpu.vector_store %arg11[%swap3A_1127, %swap3A_1128, %swap3A_1129], %min3A_1122 {strides = array<i32>} : memref<4x3x256xf32, #tpu.memory_space<vmem>>, vector<16xf32>,
      }
      %scan3A_19 = arith.constant 16 : i32
      "tpu.region"() ({
        %run_scoped3A = tpu.sem_alloc : memref<!tpu.dma_semaphore, #tpu.memory_space<semaphore_mem>>
        %dma_start3A = arith.constant 0 : i32
        %dma_start3A_20 = arith.constant 0 : i32
        %dma_start3A_21 = tpu.memref_slice %arg6[%dma_start3A, %dma_start3A_20, %add3A_14] : memref<4x3x262144xf32, #tpu.memory_space<hbm>> -> memref<4x3x256xf32, #tpu.memory_space<hbm>>
        %dma_start3A_22 = arith.constant 0 : i32
        %dma_start3A_23 = arith.constant 0 : i32
        %dma_start3A_24 = tpu.memref_slice %arg6[%dma_start3A_22, %dma_start3A_23, %add3A_14] : memref<4x3x262144xf32, #tpu.memory_space<hbm>> -> memref<4x3x256xf32, #tpu.memory_space<hbm>>
        tpu.enqueue_dma source(%arg11 : memref<4x3x256xf32, #tpu.memory_space<vmem>>) target(%dma_start3A_24 : memref<4x3x256xf32, #tpu.memory_space<hbm>>) target_semaphore(%run_scoped3A : memref<!tpu.dma_semaphore, #tpu.memory_space<semaphore_mem>>)
        %dma_wait3A = arith.constant 0 : i32
        %dma_wait3A_25 = arith.constant 0 : i32
        %dma_wait3A_26 = tpu.memref_slice %arg6[%dma_wait3A, %dma_wait3A_25, %add3A_14] : memref<4x3x262144xf32, #tpu.memory_space<hbm>> -> memref<4x3x256xf32, #tpu.memory_space<hbm>>
        %dma_wait3A_27 = arith.constant 0 : i32
        %dma_wait3A_28 = arith.constant 0 : i32
        %dma_wait3A_29 = tpu.memref_slice %arg6[%dma_wait3A_27, %dma_wait3A_28, %add3A_14] : memref<4x3x262144xf32, #tpu.memory_space<hbm>> -> memref<4x3x256xf32, #tpu.memory_space<hbm>>
        tpu.wait_dma2 semaphore(%run_scoped3A : memref<!tpu.dma_semaphore, #tpu.memory_space<semaphore_mem>>) src(%arg11 : memref<4x3x256xf32, #tpu.memory_space<vmem>>) dst(%dma_wait3A_29 : memref<4x3x256xf32, #tpu.memory_space<hbm>>)
        tpu.yield
      }) : () -> ()
    }
    %scan3A_6 = arith.constant 32 : i32
    return
  }
}

</mosaic_0001>

<sc_bundles>
// kernel: kernel.3.cloned.1.call-start
scs
__scs_entry_jumppad:
0x0: {  	(pc) =	sbr.rel $0x88, $3  }
0x1: {  	(tag) =	ssettag $0x0;
	lr =	simm.s32 $0x1  }
0x2: {  	[smem:$0x3F9D] =	sst lr;
	_ =	strace $0xD0000000  }
0x3: {  	_ = 	snop  }
0x4: {  	_ = 	snop  }
0x5: {  	_ = 	snop  }
0x6: {  	_ = 	snop  }
0x7: {  	_ = 	snop  }
__scs_overlays_trampoline_lowered:
0x8: {  	[smem:$0x3FAC] =	sst s0  }
0x9: {  	[smem:$0x3FAD] =	sst s1  }
0xa: {  	[smem:$0x3FAE] =	sst s2  }
0xb: {  	[smem:$0x3FAF] =	sst s3  }
0xc: {  	[smem:$0x3FB0] =	sst s4  }
0xd: {  	[smem:$0x3FB1] =	sst s5  }
0xe: {  	[smem:$0x3FB2] =	sst s6  }
0xf: {  	[smem:$0x3FB3] =	sst s7  }
0x10: {  	[smem:$0x3FB4] =	sst s8  }
0x11: {  	[smem:$0x3FB5] =	sst s9;
	s0 =	simm.s32 @!p0 $0x0  }
0x12: {  	s1 =	sld [smem:$0x3F9B];
	s0 =	simm.s32 @p0 $0x1  }
0x13: {  	[smem:$0x3FB6] =	sst s0;
	s0 =	simm.s32 @!p1 $0x0  }
0x14: {  	s2 =	sld [smem:$0x3F9A];
	s0 =	simm.s32 @p1 $0x1  }
0x15: {  	[smem:$0x3FB7] =	sst s0;
	s0 =	simm.s32 @!p2 $0x0  }
0x16: {  	s3 =	sld [smem:$0x3FDB];
	s0 =	simm.s32 @p2 $0x1  }
0x17: {  	s4 =	simm.s32 $0x1BF5;
	[smem:$0x3FB9] =	sst s0  }
0x18: {  	s0 =	sld [smem:$0x3F9C];
	_ =	swait.ge [sflag:s4], $0x0  }
0x19: {  	s7 =	sld [smem:$0x3F9D]  }
0x1a: {  	s8 =	sadd.s32 $0xFFFFE003, lr  }
0x1b: {  	s9 =	sadd.s32 $0xFFFFFEF7, lr;
	s5 =	simm.s32 $0xFFFFFFFF;
	p2 =	slt.u32 s8, $0xFFFFF086  }
0x1c: {  	p1 =	slt.u32 s9, $0xF7A;
	s5 =	simm.s32 @!p2 $0x0  }
0x1d: {  	s5 =	simm.s32 @p1 $0x1;
	p0 =	seq.s32 s7, s2  }
0x1e: {  	s7 =	smul.u32 @!p0 $0xF7A, s2;
	p2 =	seq.s32 @!p0 s5, $0x0  }
0x1f: {  	s9 =	smul.u32 $0xF7A, s1;
	s8 =	simm.s32 @!p0 $0x1BF5;
	p2 =	por !p2, p0  }
0x20: {  	[sflag:s8] =	ssyncset.s32 @!p0 $0xFFFFF086;
	s6 =	sadd.s32 @!p0 s3, s7;
	s7 =	simm.s32 @!p0 $0x108  }
0x21: {  	s3 =	sadd.s32 s3, s9;
	s6 =	sadd.s32 @!p0 $0x88, s6;
	s7 =	simm.s32 @p2 $0x1082  }
0x22: {  	[simem:s7], [sflag:s8] =	dma.local @!p0 [hbm:s6], $0xF7A  }
0x23: {  	s9 =	sor.u32 $0xD0000000, s2;
	s6 =	simm.s32 $0x108;
	_ =	swait.ge @!p0 [sflag:s8], $0x0  }
0x24: {  	s3 =	sadd.s32 $0x88, s3;
	s6 =	simm.s32 @!p1 $0x1082;
	[sflag:s4] =	ssyncset.s32 $0xFFFFF086  }
0x25: {  	[simem:s6], [sflag:s4] =	dma.local [hbm:s3], $0xF7A  }
0x26: {  	[smem:$0x3F9D] =	sst s1;
	(tag) =	ssettag s2;
	_ =	strace s9  }
0x27: {  	s1 =	sld [smem:$0x3FAD]  }
0x28: {  	s2 =	sld [smem:$0x3FAE]  }
0x29: {  	s4 =	sld [smem:$0x3FB0]  }
0x2a: {  	p0 =	seq.s32 s5, $0x0;
	s5 =	sld [smem:$0x3FB1]  }
0x2b: {  	s6 =	sld [smem:$0x3FB2]  }
0x2c: {  	s7 =	sld [smem:$0x3FB3]  }
0x2d: {  	s3 =	simm.s32 $0x108;
	s8 =	sld [smem:$0x3FB4]  }
0x2e: {  	s3 =	simm.s32 @!p0 $0x1082;
	s9 =	sld [smem:$0x3FB5]  }
0x2f: {  	lr =	sadd.s32 s0, s3;
	s0 =	sld [smem:$0x3FAC]  }
0x30: {  	s3 =	sld [smem:$0x3FAF]  }
0x31: {  	[smem:$0x3FB8] =	sst s10  }
0x32: {  	s10 =	sld [smem:$0x3FB6];
	_ =	sdelay $0x3  }
0x33: {  	p0 =	seq.s32 s10, $0x1;
	s10 =	sld [smem:$0x3FB8];
	_ =	sdelay $0x3  }
0x34: {  	[smem:$0x3FB8] =	sst s10  }
0x35: {  	s10 =	sld [smem:$0x3FB7];
	_ =	sdelay $0x3  }
0x36: {  	p1 =	seq.s32 s10, $0x1;
	s10 =	sld [smem:$0x3FB8];
	_ =	sdelay $0x3  }
0x37: {  	[smem:$0x3FB8] =	sst s10  }
0x38: {  	s10 =	sld [smem:$0x3FB9]  }
0x39: {  	_ = 	snop;
	(pc) =	sbr.ind lr, $3  }
0x3a: {  	_ = 	snop  }
0x3b: {  	_ = 	snop  }
0x3c: {  	p2 =	seq.s32 s10, $0x1;
	s10 =	sld [smem:$0x3FB8]  }
0x3d: {  	_ =	shalt  }
0x3e: {  	_ =	shalt  }
0x3f: {  	_ =	shalt  }
0x40: {  	_ =	shalt  }
0x41: {  	_ =	shalt  }
0x42: {  	_ =	shalt  }
0x43: {  	_ =	shalt  }
0x44: {  	_ =	shalt  }
0x45: {  	_ =	shalt  }
0x46: {  	_ =	shalt  }
0x47: {  	_ =	shalt  }
0x48: {  	_ =	shalt  }
0x49: {  	_ =	shalt  }
0x4a: {  	_ =	shalt  }
0x4b: {  	_ =	shalt  }
0x4c: {  	_ =	shalt  }
0x4d: {  	_ =	shalt  }
0x4e: {  	_ =	shalt  }
0x4f: {  	_ =	shalt  }
0x50: {  	_ =	shalt  }
0x51: {  	_ =	shalt  }
0x52: {  	_ =	shalt  }
0x53: {  	_ =	shalt  }
0x54: {  	_ =	shalt  }
0x55: {  	_ =	shalt  }
0x56: {  	_ =	shalt  }
0x57: {  	_ =	shalt  }
0x58: {  	_ =	shalt  }
0x59: {  	_ =	shalt  }
0x5a: {  	_ =	shalt  }
0x5b: {  	_ =	shalt  }
0x5c: {  	_ =	shalt  }
0x5d: {  	_ =	shalt  }
0x5e: {  	_ =	shalt  }
0x5f: {  	_ =	shalt  }
0x60: {  	_ =	shalt  }
0x61: {  	_ =	shalt  }
0x62: {  	_ =	shalt  }
0x63: {  	_ =	shalt  }
0x64: {  	_ =	shalt  }
0x65: {  	_ =	shalt  }
0x66: {  	_ =	shalt  }
0x67: {  	_ =	shalt  }
0x68: {  	_ =	shalt  }
0x69: {  	_ =	shalt  }
0x6a: {  	_ =	shalt  }
0x6b: {  	_ =	shalt  }
0x6c: {  	_ =	shalt  }
0x6d: {  	_ =	shalt  }
0x6e: {  	_ =	shalt  }
0x6f: {  	_ =	shalt  }
0x70: {  	_ =	shalt  }
0x71: {  	_ =	shalt  }
0x72: {  	_ =	shalt  }
0x73: {  	_ =	shalt  }
0x74: {  	_ =	shalt  }
0x75: {  	_ =	shalt  }
0x76: {  	_ =	shalt  }
0x77: {  	_ =	shalt  }
0x78: {  	_ =	shalt  }
0x79: {  	_ =	shalt  }
0x7a: {  	_ =	shalt  }
0x7b: {  	_ =	shalt  }
0x7c: {  	_ =	shalt  }
0x7d: {  	_ =	shalt  }
0x7e: {  	_ =	shalt  }
0x7f: {  	_ =	shalt  }
0x80: {  	_ =	shalt  }
0x81: {  	_ =	shalt  }
0x82: {  	_ =	shalt  }
0x83: {  	_ =	shalt  }
0x84: {  	_ =	shalt  }
0x85: {  	_ =	shalt  }
0x86: {  	_ =	shalt  }
0x87: {  	_ =	shalt  }
.Lfunc_end0:
.L_simem_size_0:
called_computation_lowered:
.L_overlay_start_0:
0x88: {  	s2 =	sld [smem:$0x3FD9]  }
0x89: {  	s3 =	sld [smem:$0x3FFE];
	_ =	sdelay $0x1  }
0x8a: {  	s1 =	srdreg.scid  }
0x8b: {  	s0 =	sand.u32 $0x1, s1  }
0x8c: {  	s17 =	sshll.u32 s0, $0xA;
	s2 =	sadd.s32 s3, s2  }
0x8d: {  	s2 =	sadd.s32 s2, s17  }
0x8e: {  	[smem:$0x3FC4] =	sst s2  }
0x8f: {  	_ = 	snop  }
0x90: {  	s2 =	sld [smem:$0x3FD0];
	(tm) =	ssettm $0x1  }
0x91: {  	s18 =	sld [smem:$0x3FFB];
	_ =	sdelay $0x3  }
0x92: {  	_ =	strace s18  }
0x93: {  	s3 =	sld [smem:$0x3FFC];
	_ =	sdelay $0x3  }
0x94: {  	_ =	strace s3  }
0x95: {  	s3 =	sld [smem:$0x3FFD];
	_ =	sdelay $0x3  }
0x96: {  	_ =	strace s3  }
0x97: {  	_ =	strace $0x8FFFFFFF  }
0x98: {  	s19 =	sld [smem:$0x3FDB];
	_ =	sdelay $0x1  }
0x99: {  	s4 =	simm.s32 $_scs_section_size  }
0x9a: {  	s5 =	simm.s32 $_size__tile_overlayer_lowered;
	s6 =	simm.s32 $_tile_overlayer_lowered  }
0x9b: {  	s22 =	simm.s32 $0x1BFF;
	s21 =	sshll.u32 s6, $0x1;
	s3 =	sadd.s32 s4, s19  }
0x9c: {  	s7 =	simm.s32 $0x0;
	s20 =	sshll.u32 s5, $0x1;
	s5 =	sadd.s32 s21, s3  }
0x9d: {  	[timem:s7], [sflag:s22] =	dma.local [hbm:s5], s20  }
0x9e: {  	_ =	swait.ge [sflag:s22], s20  }
0x9f: {  	s4 =	ssub.s32 $0x0, s20;
	[sflag:s22] =	ssyncset.done $0x0  }
0xa0: {  	[sflag:s22] =	ssyncadd.s32 s4;
	_ =	sdelay $0x1  }
0xa1: {  	s23 =	simm.s32 $0x1B8B  }
0xa2: {  	_ =	swait.ge [sflag:s23], $0x1  }
0xa3: {  	[sflag:s23] =	ssyncset.done $0x0  }
0xa4: {  	s25 =	simm.s32 $0x1B8E;
	s24 =	sld [smem:$0x3FFE];
	[sflag:s23] =	ssyncadd.s32 $0xFFFFFFFF  }
0xa5: {  	s26 =	simm.s32 $execute0_lowered;
	[smem:$0x3FD2] =	sst s25  }
0xa6: {  	s5 =	sshll.u32 s26, $0x1;
	_ =	strace $0x80000046;
	[dreg:$0x1] =	wrdreg $0xFFFFFFFF  }
0xa7: {  	s28 =	simm.s32 $_size_execute0_lowered;
	s3 =	sadd.s32 s3, s5;
	[dreg:$0x0] =	wrdreg $0x0  }
0xa8: {  	s5 =	sshll.u32 s28, $0x1;
	[dreg:$0x2] =	wrdreg s3  }
0xa9: {  	[dreg:$0x3] =	wrdreg s5  }
0xaa: {  	[dreg:$0x4] =	wrdreg $0xC0  }
0xab: {  	_ =	task [dreg:s7], $0x5FFFF  }
0xac: {  	[dreg:$0x1] =	wrdreg $0xFFFFFFFF  }
0xad: {  	[dreg:$0x0] =	wrdreg $0x60  }
0xae: {  	[dreg:$0x2] =	wrdreg s2  }
0xaf: {  	[dreg:$0x3] =	wrdreg s24  }
0xb0: {  	[dreg:$0x4] =	wrdreg $0x9  }
0xb1: {  	_ =	task.clear_ibuf [dreg:s7], $0x5FFFF;
	_ =	strace $0x90000046  }
0xb2: {  	s29 =	simm.s32 $0x9;
	_ =	strace $0x80000048  }
0xb3: {  	_ =	swait.ge [sflag:s29], $0x1  }
0xb4: {  	[sflag:s29] =	ssyncadd.s32 $0xFFFFFFFF  }
0xb5: {  	_ =	strace $0x90000048  }
0xb6: {  	_ =	sfence  }
0xb7: {  	s30 =	sld [smem:$0x0];
	_ =	sdelay $0x2  }
0xb8: {  	s31 =	sshll.u32 s1, $0xD;
	s1 =	sshrl.u32 s1, $0x2  }
0xb9: {  	s3 =	sand.u32 $0x4000, s31;
	s1 =	sadd.s32 s1, s30  }
0xba: {  	s0 =	sor.u32 s3, s0;
	s1 =	sshll.u32 s1, $0x11  }
0xbb: {  	s0 =	sor.u32 s1, s0  }
0xbc: {  	s0 =	sadd.s32 $0x8F2B, s0  }
0xbd: {  	[sflag:s0] =	ssyncadd.remote.s32 $0x1  }
0xbe: {  	_ =	sfence.sel $0xFFFF  }
0xbf: {  	[dreg:$0x0] =	wrdreg $0xFFFFFFFF;
	(pc) =	sbr.abs _section_cstart, $3  }
0xc0: {  	[dreg:$0x1] =	wrdreg $0xFFFFFFFF  }
0xc1: {  	_ =	task.clear_ibuf [dreg:s7], $0x2FFFF;
	_ =	strace $0x9FFFFFFF  }
0xc2: {  	(tm) =	ssettm $0x7FFFFFFF  }
0xc3: {  	_ =	shalt  }
tec
execute0_lowered:
.L_overlay_start_1:
0x0: {  	(tag) =	ssettag $0x1  }
0x1: {  	s1 =	rddreg [dreg:$0x0]  }
0x2: {  	s4 =	rddreg [dreg:$0x1]  }
0x3: {  	s0 =	rddreg [dreg:$0x2]  }
0x4: {  	s2 =	simm.s32 $0x0;
	s5 =	srdreg.scid;
	s11 =	simm.s32 $0x400000  }
0x5: {  	s12 =	simm.s32 $0x1;
	s13 =	simm.s32 $0x3000;
	s14 =	simm.s32 $0x100  }
0x6: {  	s15 =	simm.s32 $0x40000;
	s16 =	simm.s32 $0x6000;
	s17 =	simm.s32 $0x6C00  }
0x7: {  	s18 =	simm.s32 $0x7C00;
	s19 =	simm.s32 $0x0;
	[smem:$0x7FF] =	sst s2  }
0x8: {  	s3 =	sadd.s32 $0xD81200, s4;
	s8 =	sand.u32 $0x1, s5;
	s5 =	sadd.s32 $0xC01200, s4  }
0x9: {  	s6 =	sadd.s32 $0x1200, s4;
	s7 =	sadd.s32 $0x81200, s4;
	s9 =	ssub.s32 $0x2, s8  }
0xa: {  	s4 =	stileid.u32;
	_ =	strace $0x80000047;
	s10 =	sshrl.u32 s9, $0x1  }
0xb: {  	v0 =	vlaneseq.u32;
	s31 =	sshll.u32 s4, $0xE;
	s8 =	sshll.u32 s8, $0xD;
	s9 =	ssub.s32 s9, s10  }
0xc: {  	v1 =	vimm.s32 $0x0;
	v0 =	vmul.u32 $0x10, v0;
	s8 =	sor.u32 s8, s31;
	s10 =	simm.s32 $0x1000;
	s9 =	smax.u32 s9, $0x1  }
.LBB2_1:
0xd: {  	s20 =	simm.s32 $0x0  }
.LBB2_2:
0xe: {  	s21 =	sshll.u32 s20, $0x8  }
0xf: {  	s22 =	sadd.s32 s8, s21  }
0x10: {  	s23 =	sshll.u32 s22, $0x1  }
0x11: {  	s21 =	simm.s32 $0x0;
	s24 =	sadd.s32 s3, s23  }
0x12: {  	[tilespmem:s21], [sflag:$0x1] =	stream.strided.gather [hbm4b:s24+s10], $0x3000, s11, s10, $0x38;
	[tilespmem:$0x8800] =	vst v63  }
0x13: {  	_ =	swait.ge [sflag:s12], $0x3000  }
0x14: {  	[sflag:s12] =	ssyncset.done $0x0  }
0x15: {  	s30 =	sadd.s32 s5, s23;
	[sflag:s12] =	ssyncadd.s32 $0xFFFFD000  }
0x16: {  	[tilespmem:s13], [sflag:$0x1] =	stream.strided.gather [hbm4b:s30+s10], $0x3000, s11, s10, $0x38;
	[tilespmem:$0x8800] =	vst v63  }
0x17: {  	_ =	swait.ge [sflag:s12], $0x3000  }
0x18: {  	s22 =	sshrl.u32 s22, $0x3;
	[sflag:s12] =	ssyncset.done $0x0  }
0x19: {  	s31 =	sadd.s32 s1, s22;
	[sflag:s12] =	ssyncadd.s32 $0xFFFFD000  }
0x1a: {  	[tilespmem:s16], [sflag:$0x1] =	stream.strided.gather [hbm4b:s31+s14], $0xC00, s15, s14, $0x38;
	[tilespmem:$0x8800] =	vst v63  }
0x1b: {  	_ =	swait.ge [sflag:s12], $0xC00  }
0x1c: {  	[sflag:s12] =	ssyncset.done $0x0  }
0x1d: {  	s23 =	sadd.s32 s6, s23;
	[sflag:s12] =	ssyncadd.s32 $0xFFFFF400  }
0x1e: {  	[tilespmem:s17], [sflag:$0x1] =	stream.linear.gather [hbm4b:s23+s21], $0x1000, $0x38;
	[tilespmem:$0x8800] =	vst v63  }
0x1f: {  	_ =	swait.ge [sflag:s12], $0x1000  }
0x20: {  	[sflag:s12] =	ssyncset.done $0x0  }
0x21: {  	s24 =	simm.s32 $0x8200;
	s23 =	simm.s32 $0x6600;
	[sflag:s12] =	ssyncadd.s32 $0xFFFFF000  }
.LBB2_3:
0x22: {  	v2 =	vmov s21  }
0x23: {  	v2 =	vshll.u32 v2, $0x4  }
0x24: {  	v2 =	vor.u32 v0, v2  }
0x25: {  	v3 =	vor.u32 $0x7, v2;
	_ =	sdelay $0x3  }
0x26: {  	v6 =	vld [tilespmem:s23+$0xFFFFFA00]  }
0x27: {  	v8 =	vld.idx.msk [tilespmem:v3+s2+$0x0], $0xffff;
	_ =	sdelay $0x4  }
0x28: {  	vm0 =	vlt.f32 v8, v6  }
0x29: {  	v5 =	vor.u32 $0x3, v2;
	v7 =	vsel vm0, $0x8, v1  }
0x2a: {  	v4 =	vor.u32 v7, v5;
	_ =	sdelay $0x3  }
0x2b: {  	v14 =	vld [tilespmem:s23+$0xFFFFFD00]  }
0x2c: {  	v4 =	vld.idx.msk [tilespmem:v4+s2+$0x0], $0xffff;
	_ =	sdelay $0x4  }
0x2d: {  	vm6 =	vlt.f32 v8, v14;
	v9 =	vor.u32 $0x4, v7;
	vm5 =	vlt.f32 v4, v6  }
0x2e: {  	v38 =	vsel vm6, $0x8, v1;
	v9 =	vsel vm5, v9, v7  }
0x2f: {  	v11 =	vor.u32 v38, v5;
	v4 =	vor.u32 $0x1, v2;
	v10 =	vand.u32 $0x4, v9  }
0x30: {  	v10 =	vor.u32 v10, v4  }
0x31: {  	v7 =	vor.u32 v7, v10;
	_ =	sdelay $0x2  }
0x32: {  	v11 =	vld.idx.msk [tilespmem:v11+s2+$0x0], $0xffff;
	_ =	sdelay $0x1  }
0x33: {  	v7 =	vld.idx.msk [tilespmem:v7+s2+$0x0], $0xffff;
	_ =	sdelay $0x2  }
0x34: {  	v40 =	vor.u32 $0x4, v38;
	vm8 =	vlt.f32 v11, v14  }
0x35: {  	v11 =	vsel vm8, v40, v38  }
0x36: {  	v12 =	vor.u32 $0x2, v9;
	vm7 =	vlt.f32 v7, v6;
	v7 =	vand.u32 $0x4, v11  }
0x37: {  	v12 =	vsel vm7, v12, v9;
	v9 =	vld [tilespmem:s23+$0x0];
	v16 =	vor.u32 v7, v4  }
0x38: {  	v7 =	vld [tilespmem:s23+$0x300];
	v10 =	vor.u32 v38, v16  }
0x39: {  	v39 =	vor.u32 v2, v12;
	_ =	sdelay $0x2  }
0x3a: {  	vm9 =	vlt.f32 v8, v9  }
0x3b: {  	vm11 =	vlt.f32 v8, v7;
	v15 =	vsel vm9, $0x8, v1;
	v10 =	vld.idx.msk [tilespmem:v10+s2+$0x0], $0xffff  }
0x3c: {  	v13 =	vld.idx.msk [tilespmem:v39+s2+$0x0], $0xffff;
	v44 =	vsel vm11, $0x8, v1;
	v17 =	vor.u32 v15, v5  }
0x3d: {  	v18 =	vor.u32 v44, v5;
	_ =	sdelay $0x2  }
0x3e: {  	v46 =	vor.u32 $0x2, v11;
	vm13 =	vlt.f32 v10, v14  }
0x3f: {  	vm10 =	vlt.f32 v13, v6;
	v42 =	vld.idx.msk [tilespmem:v17+s2+$0x0], $0xffff;
	v10 =	vsel vm13, v46, v11  }
0x40: {  	v13 =	vsel vm10, $0x1, v1;
	v48 =	vld.idx.msk [tilespmem:v18+s2+$0x0], $0xffff;
	v16 =	vor.u32 v2, v10  }
0x41: {  	v12 =	vor.u32 v13, v12  }
0x42: {  	v19 =	vor.u32 $0x1007, v2;
	v20 =	vor.u32 $0x4, v15;
	v12 =	vmax.u32 v12, $0x1  }
0x43: {  	v22 =	vor.u32 $0x4, v44;
	v41 =	vadd.s32 $0xFFFFFFFF, v12;
	v45 =	vand.u32 $0x7FFFFFF8, v12  }
0x44: {  	v12 =	vand.u32 $0x7, v12;
	v43 =	vand.u32 $0xFFFFFFF8, v41;
	vm12 =	vlt.f32 v42, v9  }
0x45: {  	v13 =	vand.u32 $0x7, v41;
	vm14 =	vlt.f32 v48, v7;
	v20 =	vsel vm12, v20, v15;
	v16 =	vld.idx.msk [tilespmem:v16+s2+$0x0], $0xffff  }
0x46: {  	v8 =	vadd.s32 v2, v43;
	v52 =	vsel vm14, v22, v44;
	v47 =	vand.u32 $0x4, v20  }
0x47: {  	v13 =	vor.u32 v13, v8;
	v22 =	vand.u32 $0x4, v52;
	v49 =	vor.u32 v47, v4  }
0x48: {  	v18 =	vld.idx.msk [tilespmem:v19+s2+$0x0], $0xffff;
	v8 =	vadd.s32 v2, v45;
	v22 =	vor.u32 v22, v4;
	v15 =	vor.u32 v15, v49  }
0x49: {  	v12 =	vor.u32 v12, v8;
	v8 =	vld [tilespmem:s23+$0xFFFFFB00];
	v17 =	vor.u32 v44, v22  }
0x4a: {  	vm4 =	vlt.f32 v16, v14  }
0x4b: {  	v16 =	vsel vm4, $0x1, v1  }
0x4c: {  	v10 =	vor.u32 v16, v10  }
0x4d: {  	v51 =	vld.idx.msk [tilespmem:v15+s2+$0x0], $0xffff;
	v55 =	vmax.u32 v10, $0x1  }
0x4e: {  	v24 =	vor.u32 $0x1003, v2;
	vm15 =	vlt.f32 v18, v8;
	v17 =	vld.idx.msk [tilespmem:v17+s2+$0x0], $0xffff;
	v10 =	vadd.s32 $0xFFFFFFFF, v55  }
0x4f: {  	v23 =	vsel vm15, $0x8, v1;
	v56 =	vand.u32 $0xFFFFFFF8, v10;
	v57 =	vand.u32 $0x7, v10;
	v10 =	vld [tilespmem:s23+$0xFFFFFE00]  }
0x50: {  	v25 =	vor.u32 v23, v24;
	_ =	sdelay $0x1  }
0x51: {  	v53 =	vor.u32 $0x2, v20;
	vm5 =	vlt.f32 v51, v9  }
0x52: {  	v62 =	vor.u32 $0x2, v52;
	v50 =	vld.idx.msk [tilespmem:v13+s2+$0x0], $0xffff;
	vm7 =	vlt.f32 v17, v7;
	v11 =	vsel vm5, v53, v20  }
0x53: {  	v21 =	vld.idx.msk [tilespmem:v12+s2+$0x0], $0xffff;
	v15 =	vsel vm7, v62, v52;
	v22 =	vor.u32 v2, v11;
	vm8 =	vlt.f32 v18, v10  }
0x54: {  	v25 =	vld.idx.msk [tilespmem:v25+s2+$0x0], $0xffff;
	v36 =	vor.u32 v2, v15;
	v27 =	vsel vm8, $0x8, v1  }
0x55: {  	v29 =	vld.idx.msk [tilespmem:v13+s13+$0x0], $0xffff;
	v38 =	vor.u32 v27, v24  }
0x56: {  	v12 =	vld.idx.msk [tilespmem:v12+s13+$0x0], $0xffff  }
0x57: {  	v28 =	vor.u32 $0x1001, v2;
	v61 =	vor.u32 $0x4, v23;
	v26 =	vand.u32 $0x7FFFFFF8, v55  }
0x58: {  	v58 =	vand.u32 $0x7, v55;
	v59 =	vadd.s32 v2, v26;
	v21 =	vsub.f32 v21, v50;
	v60 =	vld.idx.msk [tilespmem:v22+s2+$0x0], $0xffff  }
0x59: {  	v6 =	vsub.f32 v6, v50;
	v16 =	vadd.s32 v2, v56;
	vm6 =	vlt.f32 v25, v8;
	v41 =	vld.idx.msk [tilespmem:v36+s2+$0x0], $0xffff  }
0x5a: {  	v54 =	vadd.f32 $9.999999930e-09, v21;
	v21 =	vor.u32 v57, v16;
	v63 =	vsel vm6, v61, v23;
	v16 =	vld.idx.msk [tilespmem:v38+s2+$0x0], $0xffff  }
0x5b: {  	v31 =	vsub.f32 v12, v29;
	v50 =	vor.u32 $0x2007, v2;
	v35 =	vand.u32 $0x4, v63  }
0x5c: {  	v20 =	vor.u32 v58, v59;
	(erf) = vrcp.f32 v54;
	v17 =	vor.u32 v35, v28  }
0x5d: {  	v49 =	vor.u32 $0x4, v27;
	v37 =	vor.u32 v23, v17;
	vm9 =	vlt.f32 v60, v9  }
0x5e: {  	v48 =	vor.u32 $0x2, v63;
	vm10 =	vlt.f32 v41, v7;
	v39 =	vsel vm9, $0x1, v1  }
0x5f: {  	v30 =	vld.idx.msk [tilespmem:v21+s2+$0x0], $0xffff;
	v17 =	vsel vm10, $0x1, v1;
	v11 =	vor.u32 v39, v11;
	vm12 =	vlt.f32 v16, v10  }
0x60: {  	v21 =	vld.idx.msk [tilespmem:v21+s13+$0x0], $0xffff;
	v51 =	vor.u32 v17, v15;
	v11 =	vmax.u32 v11, $0x1;
	v16 =	vsel vm12, v49, v27  }
0x61: {  	v40 =	vld.idx.msk [tilespmem:v20+s2+$0x0], $0xffff;
	v53 =	vmax.u32 v51, $0x1;
	v43 =	vadd.s32 $0xFFFFFFFF, v11;
	v46 =	vand.u32 $0x7FFFFFF8, v11  }
0x62: {  	v13 =	vld.idx.msk [tilespmem:v37+s2+$0x0], $0xffff;
	v47 =	vand.u32 $0x7, v11;
	v34 =	vand.u32 $0x4, v16;
	v55 =	vadd.s32 $0xFFFFFFFF, v53  }
0x63: {  	v20 =	vld.idx.msk [tilespmem:v20+s13+$0x0], $0xffff;
	v37 =	vand.u32 $0x7FFFFFF8, v53;
	v44 =	vand.u32 $0xFFFFFFF8, v43;
	v12 =	vadd.s32 v2, v46  }
0x64: {  	v39 =	vld.idx.msk [tilespmem:v50+s2+$0x0], $0xffff;
	v45 =	vand.u32 $0x7, v43;
	v54 =	vor.u32 v34, v28;
	v25 =	vor.u32 v47, v12  }
0x65: {  	v11 =	vld [tilespmem:s23+$0x100];
	v56 =	vand.u32 $0xFFFFFFF8, v55;
	v34 =	vand.u32 $0x7, v55;
	v35 =	vor.u32 v27, v54  }
0x66: {  	v57 =	vadd.s32 v2, v37;
	v19 =	vadd.s32 v2, v44;
	v12 =	vld [tilespmem:s23+$0xFFFFFC00];
	v27 =	vadd.s32 v2, v56  }
0x67: {  	v22 =	vor.u32 v45, v19;
	vm11 =	vlt.f32 v13, v8;
	v13 =	vld [tilespmem:s23+$0x400];
	v19 =	vand.u32 $0x7, v53  }
0x68: {  	v26 =	vor.u32 v34, v27;
	v27 =	vor.u32 v19, v57;
	v19 =	vsub.f32 v14, v30;
	v14 =	vld [tilespmem:s23+$0xFFFFFF00]  }
0x69: {  	v23 =	vor.u32 $0x1000, v2;
	v33 =	vsel vm11, v48, v63;
	v58 =	vld.idx.msk [tilespmem:v25+s2+$0x0], $0xffff  }
0x6a: {  	v52 =	vor.u32 v23, v33;
	vm13 =	vlt.f32 v18, v11;
	v59 =	vld.idx.msk [tilespmem:v35+s2+$0x0], $0xffff  }
0x6b: {  	v42 =	vpop (erf);
	v32 =	vsub.f32 v40, v30;
	v36 =	vsel vm13, $0x8, v1;
	v25 =	vld.idx.msk [tilespmem:v25+s13+$0x0], $0xffff  }
0x6c: {  	v6 =	vmul.f32 v42, v6;
	v38 =	vor.u32 v36, v24;
	v17 =	vld.idx.msk [tilespmem:v22+s2+$0x0], $0xffff  }
0x6d: {  	v32 =	vadd.f32 $9.999999930e-09, v32;
	vm15 =	vlt.f32 v39, v12;
	vm14 =	vlt.f32 v18, v13;
	v18 =	vld.idx.msk [tilespmem:v26+s2+$0x0], $0xffff  }
0x6e: {  	v6 =	vmul.f32 v6, v31;
	v63 =	vor.u32 $0x2003, v2;
	v62 =	vsel vm15, $0x8, v1;
	v22 =	vld.idx.msk [tilespmem:v22+s13+$0x0], $0xffff  }
0x6f: {  	v20 =	vsub.f32 v20, v21;
	v60 =	vsel vm14, $0x8, v1;
	v47 =	vor.u32 v62, v63;
	v15 =	vld.idx.msk [tilespmem:v52+s2+$0x0], $0xffff  }
0x70: {  	(erf) = vrcp.f32 v32;
	v6 =	vadd.f32 v6, v29;
	v45 =	vld.idx.msk [tilespmem:v27+s2+$0x0], $0xffff;
	v24 =	vor.u32 v60, v24  }
0x71: {  	v48 =	vor.u32 $0x2, v16;
	v49 =	vor.u32 $0x4, v36;
	vm7 =	vlt.f32 v39, v14;
	v61 =	vld.idx.msk [tilespmem:v38+s2+$0x0], $0xffff  }
0x72: {  	v53 =	vsel vm7, $0x8, v1;
	v54 =	vor.u32 $0x4, v60;
	vm5 =	vlt.f32 v59, v10  }
0x73: {  	v43 =	vor.u32 v53, v63;
	v44 =	vsub.f32 v58, v17;
	v34 =	vsel vm5, v48, v16  }
0x74: {  	v9 =	vsub.f32 v9, v17;
	v25 =	vsub.f32 v25, v22;
	v37 =	vld.idx.msk [tilespmem:v47+s2+$0x0], $0xffff;
	vm4 =	vlt.f32 v15, v8  }
0x75: {  	v16 =	vor.u32 v23, v34;
	v51 =	vsub.f32 v45, v18;
	v24 =	vld.idx.msk [tilespmem:v24+s2+$0x0], $0xffff;
	v46 =	vsel vm4, $0x1, v1  }
0x76: {  	v15 =	vadd.f32 $9.999999930e-09, v44;
	v33 =	vor.u32 v46, v33;
	vm6 =	vlt.f32 v61, v11  }
0x77: {  	v44 =	vor.u32 $0x4, v62;
	v33 =	vmax.u32 v33, $0x1;
	v38 =	vsel vm6, v49, v36  }
0x78: {  	(erf) = vrcp.f32 v15;
	v50 =	vadd.s32 $0xFFFFFFFF, v33;
	v40 =	vand.u32 $0x4, v38  }
0x79: {  	v15 =	vld [tilespmem:s23+$0x200];
	vm9 =	vlt.f32 v37, v12;
	v57 =	vand.u32 $0x7FFFFFF8, v33;
	v33 =	vand.u32 $0x7, v33  }
0x7a: {  	v43 =	vld.idx.msk [tilespmem:v43+s2+$0x0], $0xffff;
	v59 =	vor.u32 $0x2, v38;
	v40 =	vor.u32 v40, v28;
	vm8 =	vlt.f32 v24, v13  }
0x7b: {  	v42 =	vld.idx.msk [tilespmem:v16+s2+$0x0], $0xffff;
	v52 =	vand.u32 $0xFFFFFFF8, v50;
	v36 =	vor.u32 v36, v40;
	v55 =	vsel vm8, v54, v60  }
0x7c: {  	v16 =	vld [tilespmem:s23+$0x500];
	v41 =	vand.u32 $0x7, v50;
	v24 =	vadd.f32 $9.999999930e-09, v51;
	v56 =	vand.u32 $0x4, v55  }
0x7d: {  	v37 =	vsel vm9, v44, v62;
	v44 =	vor.u32 $0x2001, v2;
	v28 =	vor.u32 v56, v28  }
0x7e: {  	v31 =	vadd.s32 v23, v52;
	vm10 =	vlt.f32 v39, v15;
	v28 =	vor.u32 v60, v28  }
0x7f: {  	v58 =	vand.u32 $0x4, v37;
	vm14 =	vlt.f32 v43, v14;
	v30 =	vsel vm10, $0x8, v1  }
0x80: {  	vm11 =	vlt.f32 v42, v10;
	v42 =	vor.u32 v58, v44;
	v46 =	vor.u32 v30, v63;
	v36 =	vld.idx.msk [tilespmem:v36+s2+$0x0], $0xffff  }
0x81: {  	v54 =	vor.u32 $0x2, v37;
	vm12 =	vlt.f32 v39, v16;
	v32 =	vor.u32 v62, v42  }
0x82: {  	v29 =	vor.u32 v41, v31;
	v41 =	vadd.s32 v23, v57;
	v39 =	vsel vm12, $0x8, v1  }
0x83: {  	v48 =	vor.u32 $0x2, v55;
	v45 =	vsel vm11, $0x1, v1;
	v35 =	vor.u32 v39, v63;
	v28 =	vld.idx.msk [tilespmem:v28+s2+$0x0], $0xffff  }
0x84: {  	v33 =	vor.u32 v33, v41;
	v60 =	vor.u32 $0x4, v53;
	v34 =	vor.u32 v45, v34  }
0x85: {  	v57 =	vor.u32 $0x4, v39;
	v34 =	vmax.u32 v34, $0x1;
	v63 =	vld.idx.msk [tilespmem:v46+s2+$0x0], $0xffff;
	vm13 =	vlt.f32 v36, v11  }
0x86: {  	v61 =	vadd.s32 $0xFFFFFFFF, v34;
	v32 =	vld.idx.msk [tilespmem:v32+s2+$0x0], $0xffff;
	v36 =	vsel vm13, v59, v38;
	v38 =	vsel vm14, v60, v53  }
0x87: {  	v50 =	vand.u32 $0xFFFFFFF8, v61;
	v62 =	vor.u32 v23, v36;
	v47 =	vand.u32 $0x4, v38  }
0x88: {  	v42 =	vand.u32 $0x7, v61;
	v35 =	vld.idx.msk [tilespmem:v35+s2+$0x0], $0xffff;
	v47 =	vor.u32 v47, v44;
	vm15 =	vlt.f32 v28, v13  }
0x89: {  	v46 =	vadd.s32 v23, v50;
	v40 =	vor.u32 v53, v47;
	v41 =	vsel vm15, v48, v55  }
0x8a: {  	vm4 =	vlt.f32 v63, v15;
	v53 =	vor.u32 $0x4, v30;
	v52 =	vor.u32 v23, v41  }
0x8b: {  	v28 =	vor.u32 v42, v46;
	vm5 =	vlt.f32 v32, v12;
	v43 =	vsel vm4, v53, v30  }
0x8c: {  	v42 =	vor.u32 $0x2000, v2;
	v37 =	vsel vm5, v54, v37;
	v56 =	vand.u32 $0x4, v43;
	v51 =	vld.idx.msk [tilespmem:v62+s2+$0x0], $0xffff  }
0x8d: {  	vm6 =	vlt.f32 v35, v16;
	v45 =	vor.u32 v56, v44;
	v62 =	vor.u32 v42, v37  }
0x8e: {  	v7 =	vsub.f32 v7, v18;
	v58 =	vor.u32 v30, v45;
	v45 =	vsel vm6, v57, v39;
	v40 =	vld.idx.msk [tilespmem:v40+s2+$0x0], $0xffff  }
0x8f: {  	(erf) = vrcp.f32 v24;
	v63 =	vor.u32 $0x2, v38;
	v60 =	vand.u32 $0x4, v45;
	v59 =	vld.idx.msk [tilespmem:v52+s2+$0x0], $0xffff  }
0x90: {  	v55 =	vand.u32 $0x7FFFFFF8, v34;
	v34 =	vand.u32 $0x7, v34;
	v30 =	vor.u32 v60, v44  }
0x91: {  	v32 =	vadd.s32 v23, v55;
	v39 =	vor.u32 v39, v30;
	vm7 =	vlt.f32 v51, v11  }
0x92: {  	v30 =	vor.u32 v34, v32;
	v55 =	vld.idx.msk [tilespmem:v62+s2+$0x0], $0xffff;
	v62 =	vor.u32 $0x2, v45;
	v61 =	vsel vm7, $0x1, v1  }
0x93: {  	v35 =	vld.idx.msk [tilespmem:v58+s2+$0x0], $0xffff;
	v58 =	vor.u32 $0x2, v43;
	v36 =	vor.u32 v61, v36;
	vm8 =	vlt.f32 v40, v14  }
0x94: {  	v36 =	vmax.u32 v36, $0x1;
	v49 =	vsel vm8, v63, v38;
	vm9 =	vlt.f32 v59, v13  }
0x95: {  	v48 =	vadd.s32 $0xFFFFFFFF, v36;
	v51 =	vor.u32 v42, v49;
	v54 =	vsel vm9, $0x1, v1  }
0x96: {  	v56 =	vand.u32 $0x7FFFFFF8, v36;
	v36 =	vand.u32 $0x7, v36;
	v50 =	vand.u32 $0xFFFFFFF8, v48  }
0x97: {  	v39 =	vld.idx.msk [tilespmem:v39+s2+$0x0], $0xffff;
	v52 =	vand.u32 $0x7, v48;
	v38 =	vor.u32 v54, v41;
	v32 =	vadd.s32 v23, v56  }
0x98: {  	vm11 =	vlt.f32 v55, v12;
	v53 =	vadd.s32 v23, v50;
	vm10 =	vlt.f32 v35, v15  }
0x99: {  	v38 =	vmax.u32 v38, $0x1;
	v61 =	vsel vm11, $0x1, v1;
	v43 =	vsel vm10, v58, v43  }
0x9a: {  	v32 =	vor.u32 v36, v32;
	v31 =	vor.u32 v52, v53;
	v60 =	vor.u32 v42, v43  }
0x9b: {  	v57 =	vadd.s32 $0xFFFFFFFF, v38;
	v50 =	vand.u32 $0x7FFFFFF8, v38;
	v37 =	vor.u32 v61, v37;
	v40 =	vld.idx.msk [tilespmem:v51+s2+$0x0], $0xffff  }
0x9c: {  	v38 =	vand.u32 $0x7, v38;
	v59 =	vand.u32 $0xFFFFFFF8, v57;
	vm12 =	vlt.f32 v39, v16  }
0x9d: {  	v47 =	vld.idx.msk [tilespmem:v33+s2+$0x0], $0xffff;
	v41 =	vand.u32 $0x7, v57;
	v37 =	vmax.u32 v37, $0x1;
	v63 =	vsel vm12, v62, v45  }
0x9e: {  	v35 =	vadd.s32 v23, v59;
	v23 =	vadd.s32 v23, v50;
	v45 =	vld.idx.msk [tilespmem:v29+s2+$0x0], $0xffff;
	v51 =	vor.u32 v42, v63  }
0x9f: {  	v52 =	vadd.s32 $0xFFFFFFFF, v37;
	v54 =	vand.u32 $0x7FFFFFF8, v37;
	v37 =	vand.u32 $0x7, v37;
	v44 =	vld.idx.msk [tilespmem:v60+s2+$0x0], $0xffff  }
0xa0: {  	v26 =	vld.idx.msk [tilespmem:v26+s13+$0x0], $0xffff;
	v23 =	vor.u32 v38, v23;
	v53 =	vand.u32 $0xFFFFFFF8, v52;
	vm13 =	vlt.f32 v40, v14  }
0xa1: {  	v27 =	vld.idx.msk [tilespmem:v27+s13+$0x0], $0xffff;
	v39 =	vand.u32 $0x7, v52;
	v38 =	vadd.s32 v42, v53;
	v40 =	vsel vm13, $0x1, v1  }
0xa2: {  	v33 =	vld.idx.msk [tilespmem:v33+s13+$0x0], $0xffff;
	v38 =	vor.u32 v39, v38;
	v39 =	vadd.s32 v42, v54;
	v34 =	vor.u32 v40, v49  }
0xa3: {  	v35 =	vor.u32 v41, v35;
	v37 =	vor.u32 v37, v39;
	v41 =	vld.idx.msk [tilespmem:v51+s2+$0x0], $0xffff;
	v34 =	vmax.u32 v34, $0x1  }
0xa4: {  	v59 =	vld.idx.msk [tilespmem:v30+s2+$0x0], $0xffff;
	v47 =	vsub.f32 v47, v45;
	v55 =	vadd.s32 $0xFFFFFFFF, v34;
	vm14 =	vlt.f32 v44, v15  }
0xa5: {  	v62 =	vld.idx.msk [tilespmem:v32+s2+$0x0], $0xffff;
	v58 =	vand.u32 $0x7FFFFFF8, v34;
	v34 =	vand.u32 $0x7, v34;
	v56 =	vand.u32 $0xFFFFFFF8, v55  }
0xa6: {  	v48 =	vld.idx.msk [tilespmem:v31+s2+$0x0], $0xffff;
	v40 =	vand.u32 $0x7, v55;
	v57 =	vsel vm14, $0x1, v1;
	v46 =	vadd.s32 v42, v56  }
0xa7: {  	v53 =	vld.idx.msk [tilespmem:v23+s2+$0x0], $0xffff;
	v44 =	vadd.s32 v42, v58;
	v39 =	vor.u32 v40, v46;
	v40 =	vor.u32 v57, v43  }
0xa8: {  	v51 =	vld.idx.msk [tilespmem:v35+s2+$0x0], $0xffff;
	v34 =	vor.u32 v34, v44;
	vm15 =	vlt.f32 v41, v16;
	v55 =	vpop (erf);
	v40 =	vmax.u32 v40, $0x1  }
0xa9: {  	v29 =	vld.idx.msk [tilespmem:v29+s13+$0x0], $0xffff;
	v61 =	vsel vm15, $0x1, v1;
	v19 =	vmul.f32 v55, v19;
	v60 =	vadd.s32 $0xFFFFFFFF, v40  }
0xaa: {  	v23 =	vld.idx.msk [tilespmem:v23+s13+$0x0], $0xffff;
	v58 =	vpop (erf);
	v36 =	vor.u32 v61, v63;
	v50 =	vand.u32 $0x7FFFFFF8, v40;
	v40 =	vand.u32 $0x7, v40  }
0xab: {  	v43 =	vld.idx.msk [tilespmem:v28+s2+$0x0], $0xffff;
	v9 =	vmul.f32 v58, v9;
	v49 =	vand.u32 $0xFFFFFFF8, v60;
	v44 =	vand.u32 $0x7, v60  }
0xac: {  	v28 =	vld.idx.msk [tilespmem:v28+s13+$0x0], $0xffff;
	v36 =	vmax.u32 v36, $0x1;
	v50 =	vadd.s32 v42, v50;
	v60 =	vsub.f32 v62, v48  }
0xad: {  	v19 =	vmul.f32 v19, v20;
	v62 =	vsub.f32 v53, v51;
	v40 =	vor.u32 v40, v50;
	v50 =	vld.idx.msk [tilespmem:v38+s2+$0x0], $0xffff  }
0xae: {  	v49 =	vadd.s32 v42, v49;
	v52 =	vadd.s32 $0xFFFFFFFF, v36;
	v54 =	vand.u32 $0x7FFFFFF8, v36;
	v57 =	vld.idx.msk [tilespmem:v34+s2+$0x0], $0xffff  }
0xaf: {  	v25 =	vmul.f32 v9, v25;
	v44 =	vor.u32 v44, v49;
	v9 =	vadd.f32 v19, v21;
	v19 =	vld.idx.msk [tilespmem:v30+s13+$0x0], $0xffff  }
0xb0: {  	v63 =	vand.u32 $0xFFFFFFF8, v52;
	v52 =	vand.u32 $0x7, v52;
	v20 =	vadd.f32 $9.999999930e-09, v62;
	v62 =	vld.idx.msk [tilespmem:v37+s13+$0x0], $0xffff  }
0xb1: {  	v56 =	vsub.f32 v59, v43;
	v49 =	vadd.s32 v42, v63;
	v42 =	vadd.s32 v42, v54;
	v54 =	vld.idx.msk [tilespmem:v39+s2+$0x0], $0xffff  }
0xb2: {  	v36 =	vand.u32 $0x7, v36;
	v59 =	vadd.f32 $9.999999930e-09, v47;
	v49 =	vor.u32 v52, v49;
	v52 =	vld.idx.msk [tilespmem:v37+s2+$0x0], $0xffff  }
0xb3: {  	v55 =	vpop (erf);
	v36 =	vor.u32 v36, v42;
	v17 =	vadd.f32 $9.999999930e-09, v56;
	v56 =	vld.idx.msk [tilespmem:v35+s13+$0x0], $0xffff  }
0xb4: {  	v58 =	vsub.f32 v27, v26;
	v7 =	vmul.f32 v55, v7;
	(erf) = vrcp.f32 v59;
	v59 =	vld.idx.msk [tilespmem:v38+s13+$0x0], $0xffff  }
0xb5: {  	v8 =	vsub.f32 v8, v45;
	v61 =	vld.idx.msk [tilespmem:v40+s2+$0x0], $0xffff  }
0xb6: {  	v11 =	vsub.f32 v11, v48;
	v41 =	vadd.f32 $9.999999930e-09, v60;
	v7 =	vmul.f32 v7, v58;
	v47 =	vld.idx.msk [tilespmem:v44+s2+$0x0], $0xffff  }
0xb7: {  	v13 =	vsub.f32 v13, v51;
	v10 =	vsub.f32 v10, v43;
	(erf) = vrcp.f32 v17;
	v42 =	vld.idx.msk [tilespmem:v49+s2+$0x0], $0xffff  }
0xb8: {  	v35 =	vsub.f32 v33, v29;
	v7 =	vadd.f32 v7, v26;
	(erf) = vrcp.f32 v41;
	v63 =	vld.idx.msk [tilespmem:v36+s2+$0x0], $0xffff  }
0xb9: {  	v37 =	vld.idx.msk [tilespmem:v39+s13+$0x0], $0xffff;
	v17 =	vadd.f32 v25, v22;
	(erf) = vrcp.f32 v20;
	v52 =	vsub.f32 v52, v50  }
0xba: {  	v38 =	vld.idx.msk [tilespmem:v34+s13+$0x0], $0xffff;
	v12 =	vsub.f32 v12, v50;
	v41 =	vsub.f32 v57, v54  }
0xbb: {  	v19 =	vsub.f32 v19, v28;
	v20 =	vld.idx.msk [tilespmem:v31+s13+$0x0], $0xffff;
	v31 =	vadd.f32 $9.999999930e-09, v52  }
0xbc: {  	v18 =	vld.idx.msk [tilespmem:v32+s13+$0x0], $0xffff;
	v22 =	vadd.f32 $9.999999930e-09, v41;
	v52 =	vsub.f32 v61, v47  }
0xbd: {  	v14 =	vsub.f32 v14, v54;
	(erf) = vrcp.f32 v31;
	v57 =	vsub.f32 v63, v42  }
0xbe: {  	v23 =	vsub.f32 v23, v56;
	v41 =	vld.idx.msk [tilespmem:v44+s13+$0x0], $0xffff;
	v24 =	vadd.f32 $9.999999930e-09, v52;
	(erf) = vrcp.f32 v22  }
0xbf: {  	v50 =	vor.u32 $0x6, v2;
	v21 =	vsub.f32 v38, v37;
	v61 =	vpop (erf);
	v52 =	vld.idx.msk [tilespmem:v2+s17+$0x0], $0xffff;
	v60 =	vadd.f32 $9.999999930e-09, v57  }
0xc0: {  	v44 =	vld.idx.msk [tilespmem:v40+s13+$0x0], $0xffff;
	v15 =	vsub.f32 v15, v47;
	v8 =	vmul.f32 v61, v8;
	v63 =	vpop (erf);
	(erf) = vrcp.f32 v24  }
0xc1: {  	v5 =	vld.idx.msk [tilespmem:v5+s17+$0x0], $0xffff;
	v18 =	vsub.f32 v18, v20;
	v10 =	vmul.f32 v63, v10;
	v39 =	vpop (erf);
	(erf) = vrcp.f32 v60  }
0xc2: {  	v45 =	vld.idx.msk [tilespmem:v49+s13+$0x0], $0xffff;
	v16 =	vsub.f32 v16, v42;
	v8 =	vmul.f32 v8, v35;
	v43 =	vpop (erf);
	v11 =	vmul.f32 v39, v11  }
0xc3: {  	v48 =	vld.idx.msk [tilespmem:v36+s13+$0x0], $0xffff;
	v24 =	vsub.f32 v62, v59;
	v10 =	vmul.f32 v10, v19;
	v13 =	vmul.f32 v43, v13  }
0xc4: {  	v8 =	vadd.f32 v8, v29;
	v11 =	vmul.f32 v11, v18;
	v55 =	vmul.f32 v52, v6  }
0xc5: {  	v19 =	vsub.f32 v44, v41;
	v57 =	vmul.f32 v52, v17;
	v13 =	vmul.f32 v13, v23  }
0xc6: {  	v58 =	vmul.f32 v52, v7;
	v10 =	vadd.f32 v10, v28;
	v11 =	vadd.f32 v11, v20;
	v46 =	vpop (erf)  }
0xc7: {  	v13 =	vadd.f32 v13, v56;
	v56 =	vmul.f32 v52, v9;
	v12 =	vmul.f32 v46, v12;
	v49 =	vpop (erf)  }
0xc8: {  	v18 =	vsub.f32 v48, v45;
	v60 =	vmul.f32 v5, v10;
	v14 =	vmul.f32 v49, v14  }
0xc9: {  	v54 =	vld.idx.msk [tilespmem:v50+s17+$0x0], $0xffff;
	v22 =	vadd.f32 $0.0e+00, v58;
	v61 =	vmul.f32 v5, v11;
	v51 =	vpop (erf);
	v12 =	vmul.f32 v12, v24  }
0xca: {  	v20 =	vadd.f32 $0.0e+00, v56;
	v15 =	vmul.f32 v51, v15;
	v14 =	vmul.f32 v14, v21;
	v53 =	vpop (erf)  }
0xcb: {  	v21 =	vadd.f32 $0.0e+00, v57;
	v12 =	vadd.f32 v12, v59;
	v16 =	vmul.f32 v53, v16  }
0xcc: {  	v59 =	vmul.f32 v5, v8;
	v15 =	vmul.f32 v15, v19;
	v19 =	vadd.f32 $0.0e+00, v55  }
0xcd: {  	v20 =	vadd.f32 v60, v20;
	v14 =	vadd.f32 v14, v37;
	v16 =	vmul.f32 v16, v18  }
0xce: {  	v62 =	vmul.f32 v54, v12;
	v15 =	vadd.f32 v15, v41;
	v19 =	vadd.f32 v59, v19  }
0xcf: {  	v5 =	vmul.f32 v5, v13;
	v63 =	vmul.f32 v54, v14;
	v16 =	vadd.f32 v16, v45  }
0xd0: {  	v21 =	vadd.f32 v61, v21;
	v19 =	vadd.f32 v62, v19;
	v28 =	vmul.f32 v54, v15  }
0xd1: {  	v5 =	vadd.f32 v5, v22;
	v20 =	vadd.f32 v63, v20;
	v18 =	vmul.f32 v16, v54  }
0xd2: {  	v21 =	vadd.f32 v28, v21;
	v19 =	vmax.f32 v19, $0.0e+00  }
0xd3: {  	v30 =	vmax.f32 v20, $0.0e+00;
	v29 =	vmin.f32 v19, $1.000000000e+00;
	v5 =	vadd.f32 v18, v5  }
0xd4: {  	v31 =	vmin.f32 v30, $1.000000000e+00;
	[tilespmem:s24+$0xFFFFFA00] =	vst v29;
	v32 =	vmax.f32 v21, $0.0e+00  }
0xd5: {  	v34 =	vor.u32 $0x4, v2;
	[tilespmem:s24+$0xFFFFFD00] =	vst v31;
	v33 =	vmin.f32 v32, $1.000000000e+00;
	v5 =	vmax.f32 v5, $0.0e+00  }
0xd6: {  	[tilespmem:s24+$0x0] =	vst v33;
	v5 =	vmin.f32 v5, $1.000000000e+00  }
0xd7: {  	[tilespmem:s24+$0x300] =	vst v5  }
0xd8: {  	v4 =	vld.idx.msk [tilespmem:v4+s17+$0x0], $0xffff;
	_ =	sdelay $0x1  }
0xd9: {  	v5 =	vld.idx.msk [tilespmem:v34+s17+$0x0], $0xffff;
	_ =	sdelay $0x1  }
0xda: {  	v3 =	vld.idx.msk [tilespmem:v3+s17+$0x0], $0xffff  }
0xdb: {  	v35 =	vmul.f32 v4, v6;
	v36 =	vmul.f32 v4, v9  }
0xdc: {  	v37 =	vmul.f32 v4, v17;
	v4 =	vmul.f32 v4, v7  }
0xdd: {  	v38 =	vmul.f32 v5, v8;
	v39 =	vmul.f32 v5, v10;
	v18 =	vadd.f32 $0.0e+00, v35  }
0xde: {  	v40 =	vmul.f32 v5, v11;
	v5 =	vmul.f32 v5, v13;
	v19 =	vadd.f32 $0.0e+00, v36  }
0xdf: {  	v41 =	vmul.f32 v3, v12;
	v20 =	vadd.f32 $0.0e+00, v37;
	v18 =	vadd.f32 v38, v18  }
0xe0: {  	v42 =	vmul.f32 v3, v14;
	v4 =	vadd.f32 $0.0e+00, v4;
	v19 =	vadd.f32 v39, v19  }
0xe1: {  	v43 =	vmul.f32 v3, v15;
	v20 =	vadd.f32 v40, v20;
	v18 =	vadd.f32 v41, v18  }
0xe2: {  	v3 =	vmul.f32 v3, v16;
	v4 =	vadd.f32 v5, v4;
	v5 =	vadd.f32 v42, v19  }
0xe3: {  	v46 =	vor.u32 $0x2, v2;
	v44 =	vadd.f32 v43, v20;
	v45 =	vmax.f32 v18, $0.0e+00  }
0xe4: {  	v3 =	vadd.f32 v3, v4;
	v5 =	vmax.f32 v5, $0.0e+00;
	v4 =	vmin.f32 v45, $1.000000000e+00  }
0xe5: {  	v48 =	vmax.f32 v44, $0.0e+00;
	v47 =	vmin.f32 v5, $1.000000000e+00;
	[tilespmem:s24+$0xFFFFFB00] =	vst v4  }
0xe6: {  	v50 =	vor.u32 $0x5, v2;
	v3 =	vmax.f32 v3, $0.0e+00;
	v49 =	vmin.f32 v48, $1.000000000e+00;
	[tilespmem:s24+$0xFFFFFE00] =	vst v47  }
0xe7: {  	v2 =	vor.u32 $0x8, v2;
	v3 =	vmin.f32 v3, $1.000000000e+00;
	[tilespmem:s24+$0x100] =	vst v49  }
0xe8: {  	[tilespmem:s24+$0x400] =	vst v3  }
0xe9: {  	v3 =	vld.idx.msk [tilespmem:v46+s17+$0x0], $0xffff;
	_ =	sdelay $0x1  }
0xea: {  	v4 =	vld.idx.msk [tilespmem:v50+s17+$0x0], $0xffff  }
0xeb: {  	v2 =	vld.idx.msk [tilespmem:v2+s17+$0x0], $0xffff;
	_ =	sdelay $0x1  }
0xec: {  	v51 =	vmul.f32 v3, v6;
	v52 =	vmul.f32 v3, v9  }
0xed: {  	v53 =	vmul.f32 v3, v17;
	v3 =	vmul.f32 v3, v7  }
0xee: {  	v54 =	vmul.f32 v4, v8;
	v56 =	vmul.f32 v4, v10  }
0xef: {  	v57 =	vmul.f32 v4, v11;
	v58 =	vmul.f32 v2, v12;
	v5 =	vadd.f32 $0.0e+00, v51  }
0xf0: {  	v4 =	vmul.f32 v4, v13;
	v59 =	vmul.f32 v2, v14;
	v3 =	vadd.f32 $0.0e+00, v3  }
0xf1: {  	v60 =	vmul.f32 v2, v15;
	v6 =	vadd.f32 $0.0e+00, v52;
	v5 =	vadd.f32 v54, v5  }
0xf2: {  	v2 =	vmul.f32 v2, v16;
	v55 =	vadd.f32 $0.0e+00, v53;
	v3 =	vadd.f32 v4, v3  }
0xf3: {  	v6 =	vadd.f32 v56, v6;
	v5 =	vadd.f32 v58, v5  }
0xf4: {  	v7 =	vadd.f32 v57, v55;
	v2 =	vadd.f32 v2, v3  }
0xf5: {  	p0 =	sne.s32 s21, $0xF0;
	v61 =	vadd.f32 v59, v6;
	v5 =	vmax.f32 v5, $0.0e+00  }
.Ltmp0:
0xf6: {  	v62 =	vadd.f32 v60, v7;
	v2 =	vmax.f32 v2, $0.0e+00;
	v3 =	vmin.f32 v5, $1.000000000e+00;
	(pc) =	sbr.rel @p0 .LBB2_3-.Ltmp0, $4  }
0xf7: {  	v4 =	vmax.f32 v61, $0.0e+00;
	v2 =	vmin.f32 v2, $1.000000000e+00;
	[tilespmem:s24+$0xFFFFFC00] =	vst v3  }
0xf8: {  	v63 =	vmax.f32 v62, $0.0e+00;
	v3 =	vmin.f32 v4, $1.000000000e+00;
	[tilespmem:s24+$0x500] =	vst v2  }
0xf9: {  	[tilespmem:s24+$0xFFFFFF00] =	vst v3;
	v3 =	vmin.f32 v63, $1.000000000e+00  }
0xfa: {  	s21 =	sadd.s32 $0x10, s21;
	s23 =	sadd.s32 $0x10, s23;
	[tilespmem:s24+$0x200] =	vst v3;
	s24 =	sadd.s32 $0x10, s24  }
0xfb: {  	s20 =	sadd.s32 $0x1, s20  }
0xfc: {  	p0 =	sne.s32 s20, $0x20  }
.Ltmp1:
0xfd: {  	s21 =	sadd.s32 s7, s22;
	(pc) =	sbr.rel @p0 .LBB2_2-.Ltmp1, $4  }
0xfe: {  	[hbm4b:s21+s14] =	stream.strided.scatter [tilespmem:s18], [sflag:$0x1], $0xC00, s15, s14, $0x38;
	[tilespmem:$0x8800] =	vst v63  }
0xff: {  	_ =	swait.ge [sflag:s12], $0xC00  }
0x100: {  	[sflag:s12] =	ssyncset.done $0x0  }
0x101: {  	[sflag:s12] =	ssyncadd.s32 $0xFFFFF400  }
0x102: {  	s19 =	sadd.s32 $0x1, s19  }
0x103: {  	p0 =	sne.s32 s19, s9  }
.Ltmp2:
0x104: {  	_ = 	snop;
	(pc) =	sbr.rel @p0 .LBB2_1-.Ltmp2, $1  }
0x105: {  	_ =	sdelay $0x3  }
0x106: {  	_ =	sfence.sel $0x180000  }
0x107: {  	[bflag:$0x0] =	sbarrier.arrive $0xFFFF  }
0x108: {  	p0 =	sne.s32 s4, $0x0;
	_ =	strace $0x90000047  }
0x109: {  	s0 =	sadd.s32 @!p0 $0x100000, s0;
	[bflag:$0x2] =	sbarrier.arrive $0xFFFF  }
0x10a: {  	[sflag:s0] =	ssyncadd.tile.s32 @!p0 $0x1;
	_ =	shalt  }
.Lfunc_end2:
_tile_overlayer_lowered:
.L_overlay_start_2:
0x10b: {  	(tag) =	ssettag $0x2  }
0x10c: {  	s0 =	rddreg [dreg:$0x0];
	s2 =	stileid.u32  }
0x10d: {  	s1 =	rddreg [dreg:$0x1];
	p0 =	sne.s32 s2, $0x0  }
0x10e: {  	s3 =	rddreg [dreg:$0x2];
	[bflag:$0x3] =	sbarrier.arrive $0xFFFF;
	s2 =	simm.s32 @!p0 $0x1C01  }
0x10f: {  	[timem:s3], [sflag:s2] =	dma.local @!p0 [hbm:s0], s1  }
0x110: {  	s0 =	simm.s32 @!p0 $0x1  }
0x111: {  	_ =	swait.ge @!p0 [sflag:s0], s1  }
0x112: {  	s1 =	ssub.s32 @!p0 $0x0, s1;
	[sflag:s0] =	ssyncset.done @!p0 $0x0  }
0x113: {  	[sflag:s0] =	ssyncadd.s32 @!p0 s1  }
0x114: {  	[bflag:$0x3] =	sbarrier.arrive $0xFFFF  }
0x115: {  	_ =	shalt  }

</sc_bundles>
